<compile_context>
chip_gen: v7x
topology: tpu7x:2x2x1
jax: 0.10.2.dev20260603
libtpu: 0.0.44.dev20260713+nightly
codegen_flags: <defaults>
</compile_context>

<pallas_src>
import dataclasses
import functools

import jax
import jax.numpy as jnp
from jax import lax
from jax.experimental import pallas as pl
from jax.experimental.pallas import tpu as pltpu
from jax.experimental.pallas import tpu_sc as plsc

N = 10000
E = 320000
F = 128
H = 128
C = 2

NC = 2
NS = 16
NW = NC * NS
EP = E // NW
K = 2000
NCHUNK = EP // K
KS = 1280
NP = 10240
RPT = NP // NS
ESC = E // NC
NGRP = K // 16
NGRPS = KS // 16
NSCAN = ESC // KS
LCAP = 2048
FB = 128

_MESH = plsc.VectorSubcoreMesh(
    core_axis_name="c", subcore_axis_name="s", num_cores=NC, num_subcores=NS
)

_SC_PARAMS = pltpu.CompilerParams()
if "needs_layout_passes" in pltpu.CompilerParams.__dataclass_fields__:
    _SC_PARAMS = dataclasses.replace(_SC_PARAMS, needs_layout_passes=False)



@functools.partial(
    pl.kernel,
    out_type=jax.ShapeDtypeStruct((NW, NP), jnp.float32),
    mesh=_MESH,
    scratch_types=[
        pltpu.VMEM((K,), jnp.int32),
        pltpu.VMEM((NP,), jnp.float32),
        pltpu.SemaphoreType.DMA,
    ],
    compiler_params=_SC_PARAMS,
)
def _deg_kernel(dst_hbm, out_hbm, idx_v, deg_v, sem):
    cid = lax.axis_index("c")
    sid = lax.axis_index("s")
    wid = cid * NS + sid

    @pl.loop(0, NP // 16)
    def _(i):
        deg_v[pl.ds(i * 16, 16)] = jnp.zeros((16,), jnp.float32)

    ones16 = jnp.full((16,), 1.0, jnp.float32)

    @pl.loop(0, NCHUNK)
    def _(c):
        pltpu.sync_copy(dst_hbm.at[pl.ds(wid * EP + c * K, K)], idx_v)

        @pl.loop(0, NGRP)
        def _(g):
            idx16 = idx_v[pl.ds(g * 16, 16)]
            plsc.addupdate_scatter(deg_v, [idx16], ones16)

    pltpu.sync_copy(deg_v, out_hbm.at[wid])




@functools.partial(
    pl.kernel,
    out_type=jax.ShapeDtypeStruct((NC, NP, F), jnp.float32),
    mesh=_MESH,
    scratch_types=[
        pltpu.VMEM((KS,), jnp.int32),
        pltpu.VMEM((KS,), jnp.int32),
        pltpu.VMEM((LCAP,), jnp.int32),
        pltpu.VMEM((LCAP,), jnp.int32),
        pltpu.VMEM((FB, F), jnp.float32),
        pltpu.VMEM((RPT, F), jnp.float32),
        pltpu.SemaphoreType.DMA,
    ],
    compiler_params=_SC_PARAMS,
)
def _scatter_kernel(y_hbm, src_hbm, dst_hbm, out_hbm, sidx, didx, slist, dlist,
                    rows_v, acc_v, sem):
    cid = lax.axis_index("c")
    sid = lax.axis_index("s")
    lo = sid * RPT

    @pl.loop(0, RPT)
    def _(i):
        @pl.loop(0, F // 16)
        def _(j):
            acc_v[i, pl.ds(j * 16, 16)] = jnp.zeros((16,), jnp.float32)

    @pl.loop(0, LCAP // 16)
    def _(i):
        slist[pl.ds(i * 16, 16)] = jnp.zeros((16,), jnp.int32)
        dlist[pl.ds(i * 16, 16)] = jnp.zeros((16,), jnp.int32)

    iota16 = lax.iota(jnp.int32, 16)

    def flush(cur):
        nbat = (cur + FB - 1) // FB

        def batch(b, _):
            base = b * FB
            nrows = cur - base
            pltpu.async_copy(
                y_hbm.at[slist.at[pl.ds(base, FB)]], rows_v, sem
            ).wait()

            @pl.loop(0, FB // 16)
            def _(g):
                rem = nrows - g * 16
                m = iota16 < rem
                dl16 = dlist[pl.ds(base + g * 16, 16)]
                row16 = iota16 + g * 16

                @pl.loop(0, F)
                def _(c):
                    cc = jnp.full((16,), c, jnp.int32)
                    val = plsc.load_gather(rows_v, [row16, cc])
                    plsc.addupdate_scatter(acc_v, [dl16, cc], val, mask=m)

            return 0

        lax.fori_loop(0, nbat, batch, 0)

    def scan_body(t, cur):
        base = cid * ESC + t * KS
        pltpu.sync_copy(src_hbm.at[pl.ds(base, KS)], sidx)
        pltpu.sync_copy(dst_hbm.at[pl.ds(base, KS)], didx)

        def group(g, cur):
            s16 = sidx[pl.ds(g * 16, 16)]
            d16 = didx[pl.ds(g * 16, 16)]
            dloc = d16 - lo
            m = (dloc >= 0) & (dloc < RPT)
            plsc.store_compressed(slist.at[pl.ds(cur, 16)], s16, mask=m)
            plsc.store_compressed(dlist.at[pl.ds(cur, 16)], dloc, mask=m)
            cnt = plsc.all_reduce_population_count(m)[0]
            return cur + cnt

        cur = lax.fori_loop(0, NGRPS, group, cur)
        full_now = cur > LCAP - KS

        @pl.when(full_now)
        def _():
            flush(cur)

        return jnp.where(full_now, 0, cur)

    cur = lax.fori_loop(0, NSCAN, scan_body, 0)
    flush(cur)

    @pl.loop(0, RPT // FB)
    def _(b):
        pltpu.sync_copy(
            acc_v.at[pl.ds(b * FB, FB)],
            out_hbm.at[cid, pl.ds(lo + b * FB, FB)],
        )



RB = 1280


def _mm1_body(x_ref, w_ref, o_ref):
    o_ref[...] = jnp.dot(x_ref[...], w_ref[...], preferred_element_type=jnp.float32)


def _scale_body(xw_ref, deg_ref, y_ref):
    d = jnp.sum(deg_ref[...], axis=0) + 1.0
    dinv = lax.rsqrt(d)
    y_ref[...] = xw_ref[...] * dinv[:, None]


def _final_body(x_ref, acc_ref, y_ref, deg_ref, wa_ref, wb_ref, b1_ref, bfc_ref, o_ref):
    d = jnp.sum(deg_ref[...], axis=0) + 1.0
    dinv = lax.rsqrt(d)
    agg = (acc_ref[0] + acc_ref[1] + y_ref[...]) * dinv[:, None]
    h = jnp.maximum(agg + b1_ref[...], 0.0)
    o_ref[...] = (
        jnp.dot(x_ref[...], wa_ref[...], preferred_element_type=jnp.float32)
        + jnp.dot(h, wb_ref[...], preferred_element_type=jnp.float32)
        + bfc_ref[...]
    )


def kernel(x, edge_index, W1, b1, Wfc, bfc):
    src = edge_index[0]
    dst = edge_index[1]

    degp = _deg_kernel(dst)

    xw = pl.pallas_call(
        _mm1_body,
        grid=(NP // RB,),
        in_specs=[
            pl.BlockSpec((RB, F), lambda i: (i, 0)),
            pl.BlockSpec((F, H), lambda i: (0, 0)),
        ],
        out_specs=pl.BlockSpec((RB, H), lambda i: (i, 0)),
        out_shape=jax.ShapeDtypeStruct((N, H), jnp.float32),
    )(x, W1)

    y = pl.pallas_call(
        _scale_body,
        grid=(NP // RB,),
        in_specs=[
            pl.BlockSpec((RB, H), lambda i: (i, 0)),
            pl.BlockSpec((NW, RB), lambda i: (0, i)),
        ],
        out_specs=pl.BlockSpec((RB, H), lambda i: (i, 0)),
        out_shape=jax.ShapeDtypeStruct((N, H), jnp.float32),
    )(xw, degp)

    accp = _scatter_kernel(y, src, dst)

    wa = Wfc[:F]
    wb = Wfc[F:]
    b1r = b1.reshape(1, H)
    bfcr = bfc.reshape(1, C)

    out = pl.pallas_call(
        _final_body,
        grid=(NP // RB,),
        in_specs=[
            pl.BlockSpec((RB, F), lambda i: (i, 0)),
            pl.BlockSpec((NC, RB, H), lambda i: (0, i, 0)),
            pl.BlockSpec((RB, H), lambda i: (i, 0)),
            pl.BlockSpec((NW, RB), lambda i: (0, i)),
            pl.BlockSpec((F, C), lambda i: (0, 0)),
            pl.BlockSpec((H, C), lambda i: (0, 0)),
            pl.BlockSpec((1, H), lambda i: (0, 0)),
            pl.BlockSpec((1, C), lambda i: (0, 0)),
        ],
        out_specs=pl.BlockSpec((RB, C), lambda i: (i, 0)),
        out_shape=jax.ShapeDtypeStruct((N, C), jnp.float32),
    )(x, accp, y, degp, wa, wb, b1r, bfcr)

    return out

# --- scband reference (transcript-rebuilt; emitter-appended) ---
"""Pipeline reference for scband-gnn-16999480558341 (READ-ONLY COPY).

The authoritative reference and input builder live on the scoring server;
editing this copy changes nothing except your own understanding.
"""

import jax, jax.numpy as jnp
import numpy as np

N = 10000
E = 320000
NFEAT = 128
HIDDEN1 = 128
CLASS_NO = 2


def setup_inputs(seed: int = 0) -> dict:
    key = jax.random.key(seed)
    k1, k2, k3, k4 = jax.random.split(key, 4)
    x = jax.random.normal(k1, (N, NFEAT), dtype=jnp.float32)
    edge_index = jax.random.randint(k2, (2, E), 0, N, dtype=jnp.int32)
    W1 = jax.random.normal(k3, (NFEAT, HIDDEN1), dtype=jnp.float32) * (1.0 / np.sqrt(NFEAT))
    b1 = jnp.zeros((HIDDEN1,), dtype=jnp.float32)
    Wfc = jax.random.normal(k4, (NFEAT + HIDDEN1, CLASS_NO), dtype=jnp.float32) * (1.0 / np.sqrt(NFEAT + HIDDEN1))
    bfc = jnp.zeros((CLASS_NO,), dtype=jnp.float32)
    return {"x": x, "edge_index": edge_index, "W1": W1, "b1": b1, "Wfc": Wfc, "bfc": bfc}


def gcn_conv(x, edge_index, W, b):
    # GCNConv: add self-loops, symmetric normalization, scatter-add aggregation
    n = x.shape[0]
    loops = jnp.arange(n, dtype=edge_index.dtype)
    src = jnp.concatenate([edge_index[0], loops])
    dst = jnp.concatenate([edge_index[1], loops])
    deg = jnp.zeros((n,), dtype=x.dtype).at[dst].add(1.0)
    deg_inv_sqrt = jnp.where(deg > 0, 1.0 / jnp.sqrt(deg), 0.0)
    norm = deg_inv_sqrt[src] * deg_inv_sqrt[dst]
    xw = x @ W
    msg = jnp.take(xw, src, axis=0) * norm[:, None]
    agg = jnp.zeros((n, W.shape[1]), dtype=x.dtype).at[dst].add(msg)
    return agg + b


def reference(x, edge_index, W1, b1, Wfc, bfc):
    h = jax.nn.relu(gcn_conv(x, edge_index, W1, b1))
    out = jnp.concatenate([x, h], axis=1)
    return out @ Wfc + bfc

if __name__ == "__main__":
    import jax
    _d = setup_inputs()
    print(jax.jit(kernel)(*tuple(_d.values())))

</pallas_src>

<mosaic_0001>
#map = affine_map<(d0, d1) -> (0)>
#map1 = affine_map<(d0, d1) -> (0, 0)>
module attributes {stable_mosaic.version = 14 : i64} {
  func.func @_deg_kernel(%arg0: i32, %arg1: i32, %arg2: memref<320000xi32, #tpu.memory_space<hbm>>, %arg3: memref<32x10240xf32, #tpu.memory_space<hbm>>, %arg4: memref<2000xi32, #tpu.memory_space<vmem>>, %arg5: memref<10240xf32, #tpu.memory_space<vmem>>, %arg6: memref<!tpu.dma_semaphore, #tpu.memory_space<semaphore_mem>>) attributes {dimension_semantics = [#tpu.dimension_semantics<core_parallel>, #tpu.dimension_semantics<subcore_parallel>], iteration_bounds = array<i64: 2, 16>, scalar_prefetch = 0 : i64, scratch_operands = 3 : i64, tpu.core_type = #tpu.core_type<sc_vector_subcore>, window_params = [{transform_indices = #map}, {transform_indices = #map1}]} {
    %mul3A = arith.constant 16 : i32
    %mul3A_0 = arith.muli %arg0, %mul3A : i32
    %add3A = arith.addi %mul3A_0, %arg1 : i32
    %scan3A = arith.constant 0 : i32
    %scan3A_1 = arith.constant 640 : i32
    %scan3A_2 = arith.addi %scan3A, %scan3A_1 : i32
    %scan3A_3 = arith.constant 1 : i32
    scf.for %scan3A_11 = %scan3A to %scan3A_2 step %scan3A_3  : i32 {
      %mul3A_12 = arith.constant 1 : i32
      %mul3A_13 = arith.muli %scan3A_11, %mul3A_12 : i32
      %add3A_14 = arith.constant 0 : i32
      %add3A_15 = arith.addi %add3A_14, %mul3A_13 : i32
      %broadcast_in_dim3A_16 = arith.constant 0.000000e+00 : f32
      %broadcast_in_dim3A_17 = vector.broadcast %broadcast_in_dim3A_16 : f32 to vector<16xf32>
      %mul3A_18 = arith.constant 16 : i32
      %mul3A_19 = arith.muli %add3A_15, %mul3A_18 : i32
      %swap3A = arith.index_cast %mul3A_19 : i32 to index
      %swap3A_20 = tpu.vector_load %arg5[%swap3A] {strides = array<i32>} : memref<10240xf32, #tpu.memory_space<vmem>>, vector<16xf32>,
      tpu.vector_store %arg5[%swap3A], %broadcast_in_dim3A_17 {strides = array<i32>} : memref<10240xf32, #tpu.memory_space<vmem>>, vector<16xf32>,
    }
    %scan3A_4 = arith.constant 640 : i32
    %broadcast_in_dim3A = arith.constant 1.000000e+00 : f32
    %broadcast_in_dim3A_5 = vector.broadcast %broadcast_in_dim3A : f32 to vector<16xf32>
    %scan3A_6 = arith.constant 0 : i32
    %scan3A_7 = arith.constant 5 : i32
    %scan3A_8 = arith.addi %scan3A_6, %scan3A_7 : i32
    %scan3A_9 = arith.constant 1 : i32
    scf.for %scan3A_11 = %scan3A_6 to %scan3A_8 step %scan3A_9  : i32 {
      %mul3A_12 = arith.constant 1 : i32
      %mul3A_13 = arith.muli %scan3A_11, %mul3A_12 : i32
      %add3A_14 = arith.constant 0 : i32
      %add3A_15 = arith.addi %add3A_14, %mul3A_13 : i32
      %mul3A_16 = arith.constant 10000 : i32
      %mul3A_17 = arith.muli %add3A, %mul3A_16 : i32
      %mul3A_18 = arith.constant 2000 : i32
      %mul3A_19 = arith.muli %add3A_15, %mul3A_18 : i32
      %add3A_20 = arith.addi %mul3A_17, %mul3A_19 : i32
      "tpu.region"() ({
        %run_scoped3A = tpu.sem_alloc : memref<!tpu.dma_semaphore, #tpu.memory_space<semaphore_mem>>
        %dma_start3A = tpu.memref_slice %arg2[%add3A_20] : memref<320000xi32, #tpu.memory_space<hbm>> -> memref<2000xi32, #tpu.memory_space<hbm>>
        %dma_start3A_26 = tpu.memref_slice %arg2[%add3A_20] : memref<320000xi32, #tpu.memory_space<hbm>> -> memref<2000xi32, #tpu.memory_space<hbm>>
        tpu.enqueue_dma source(%dma_start3A_26 : memref<2000xi32, #tpu.memory_space<hbm>>) target(%arg4 : memref<2000xi32, #tpu.memory_space<vmem>>) target_semaphore(%run_scoped3A : memref<!tpu.dma_semaphore, #tpu.memory_space<semaphore_mem>>)
        %dma_wait3A = tpu.memref_slice %arg2[%add3A_20] : memref<320000xi32, #tpu.memory_space<hbm>> -> memref<2000xi32, #tpu.memory_space<hbm>>
        %dma_wait3A_27 = tpu.memref_slice %arg2[%add3A_20] : memref<320000xi32, #tpu.memory_space<hbm>> -> memref<2000xi32, #tpu.memory_space<hbm>>
        tpu.wait_dma2 semaphore(%run_scoped3A : memref<!tpu.dma_semaphore, #tpu.memory_space<semaphore_mem>>) src(%dma_wait3A_27 : memref<2000xi32, #tpu.memory_space<hbm>>) dst(%arg4 : memref<2000xi32, #tpu.memory_space<vmem>>)
        tpu.yield
      }) : () -> ()
      %scan3A_21 = arith.constant 0 : i32
      %scan3A_22 = arith.constant 125 : i32
      %scan3A_23 = arith.addi %scan3A_21, %scan3A_22 : i32
      %scan3A_24 = arith.constant 1 : i32
      scf.for %scan3A_26 = %scan3A_21 to %scan3A_23 step %scan3A_24  : i32 {
        %mul3A_27 = arith.constant 1 : i32
        %mul3A_28 = arith.muli %scan3A_26, %mul3A_27 : i32
        %add3A_29 = arith.constant 0 : i32
        %add3A_30 = arith.addi %add3A_29, %mul3A_28 : i32
        %mul3A_31 = arith.constant 16 : i32
        %mul3A_32 = arith.muli %add3A_30, %mul3A_31 : i32
        %get3A = arith.index_cast %mul3A_32 : i32 to index
        %get3A_33 = tpu.vector_load %arg4[%get3A] {strides = array<i32>} : memref<2000xi32, #tpu.memory_space<vmem>>, vector<16xi32>,
        tpu.vector_store_idx %arg5[%get3A_33], %broadcast_in_dim3A_5 {add = true} : memref<10240xf32, #tpu.memory_space<vmem>>[vector<16xi32>], vector<16xf32>,
      }
      %scan3A_25 = arith.constant 125 : i32
    }
    %scan3A_10 = arith.constant 5 : i32
    "tpu.region"() ({
      %run_scoped3A = tpu.sem_alloc : memref<!tpu.dma_semaphore, #tpu.memory_space<semaphore_mem>>
      %dma_start3A = arith.constant 0 : i32
      %dma_start3A_11 = tpu.memref_slice %arg3[%add3A, %dma_start3A] : memref<32x10240xf32, #tpu.memory_space<hbm>> -> memref<1x10240xf32, #tpu.memory_space<hbm>>
      %dma_start3A_12 = tpu.memref_squeeze %dma_start3A_11 : memref<1x10240xf32, #tpu.memory_space<hbm>> -> memref<10240xf32, #tpu.memory_space<hbm>>
      %dma_start3A_13 = arith.constant 0 : i32
      %dma_start3A_14 = tpu.memref_slice %arg3[%add3A, %dma_start3A_13] : memref<32x10240xf32, #tpu.memory_space<hbm>> -> memref<1x10240xf32, #tpu.memory_space<hbm>>
      %dma_start3A_15 = tpu.memref_squeeze %dma_start3A_14 : memref<1x10240xf32, #tpu.memory_space<hbm>> -> memref<10240xf32, #tpu.memory_space<hbm>>
      tpu.enqueue_dma source(%arg5 : memref<10240xf32, #tpu.memory_space<vmem>>) target(%dma_start3A_15 : memref<10240xf32, #tpu.memory_space<hbm>>) target_semaphore(%run_scoped3A : memref<!tpu.dma_semaphore, #tpu.memory_space<semaphore_mem>>)
      %dma_wait3A = arith.constant 0 : i32
      %dma_wait3A_16 = tpu.memref_slice %arg3[%add3A, %dma_wait3A] : memref<32x10240xf32, #tpu.memory_space<hbm>> -> memref<1x10240xf32, #tpu.memory_space<hbm>>
      %dma_wait3A_17 = tpu.memref_squeeze %dma_wait3A_16 : memref<1x10240xf32, #tpu.memory_space<hbm>> -> memref<10240xf32, #tpu.memory_space<hbm>>
      %dma_wait3A_18 = arith.constant 0 : i32
      %dma_wait3A_19 = tpu.memref_slice %arg3[%add3A, %dma_wait3A_18] : memref<32x10240xf32, #tpu.memory_space<hbm>> -> memref<1x10240xf32, #tpu.memory_space<hbm>>
      %dma_wait3A_20 = tpu.memref_squeeze %dma_wait3A_19 : memref<1x10240xf32, #tpu.memory_space<hbm>> -> memref<10240xf32, #tpu.memory_space<hbm>>
      tpu.wait_dma2 semaphore(%run_scoped3A : memref<!tpu.dma_semaphore, #tpu.memory_space<semaphore_mem>>) src(%arg5 : memref<10240xf32, #tpu.memory_space<vmem>>) dst(%dma_wait3A_20 : memref<10240xf32, #tpu.memory_space<hbm>>)
      tpu.yield
    }) : () -> ()
    return
  }
}

#map = affine_map<(d0, d1) -> (0, 0)>
#map1 = affine_map<(d0, d1) -> (0)>
#map2 = affine_map<(d0, d1) -> (0, 0, 0)>
module attributes {stable_mosaic.version = 14 : i64} {
  func.func @_scatter_kernel(%arg0: i32, %arg1: i32, %arg2: memref<10000x128xf32, #tpu.memory_space<hbm>>, %arg3: memref<320000xi32, #tpu.memory_space<hbm>>, %arg4: memref<320000xi32, #tpu.memory_space<hbm>>, %arg5: memref<2x10240x128xf32, #tpu.memory_space<hbm>>, %arg6: memref<1280xi32, #tpu.memory_space<vmem>>, %arg7: memref<1280xi32, #tpu.memory_space<vmem>>, %arg8: memref<2048xi32, #tpu.memory_space<vmem>>, %arg9: memref<2048xi32, #tpu.memory_space<vmem>>, %arg10: memref<128x128xf32, #tpu.memory_space<vmem>>, %arg11: memref<640x128xf32, #tpu.memory_space<vmem>>, %arg12: memref<!tpu.dma_semaphore, #tpu.memory_space<semaphore_mem>>) attributes {dimension_semantics = [#tpu.dimension_semantics<core_parallel>, #tpu.dimension_semantics<subcore_parallel>], iteration_bounds = array<i64: 2, 16>, scalar_prefetch = 0 : i64, scratch_operands = 7 : i64, tpu.core_type = #tpu.core_type<sc_vector_subcore>, window_params = [{transform_indices = #map}, {transform_indices = #map1}, {transform_indices = #map1}, {transform_indices = #map2}]} {
    %mul3A = arith.constant 640 : i32
    %mul3A_0 = arith.muli %arg1, %mul3A : i32
    %scan3A = arith.constant 0 : i32
    %scan3A_1 = arith.constant 640 : i32
    %scan3A_2 = arith.addi %scan3A, %scan3A_1 : i32
    %scan3A_3 = arith.constant 1 : i32
    scf.for %scan3A_52 = %scan3A to %scan3A_2 step %scan3A_3  : i32 {
      %mul3A_53 = arith.constant 1 : i32
      %mul3A_54 = arith.muli %scan3A_52, %mul3A_53 : i32
      %add3A_55 = arith.constant 0 : i32
      %add3A_56 = arith.addi %add3A_55, %mul3A_54 : i32
      %scan3A_57 = arith.constant 0 : i32
      %scan3A_58 = arith.constant 8 : i32
      %scan3A_59 = arith.addi %scan3A_57, %scan3A_58 : i32
      %scan3A_60 = arith.constant 1 : i32
      scf.for %scan3A_62 = %scan3A_57 to %scan3A_59 step %scan3A_60  : i32 {
        %mul3A_63 = arith.constant 1 : i32
        %mul3A_64 = arith.muli %scan3A_62, %mul3A_63 : i32
        %add3A_65 = arith.constant 0 : i32
        %add3A_66 = arith.addi %add3A_65, %mul3A_64 : i32
        %broadcast_in_dim3A = arith.constant 0.000000e+00 : f32
        %broadcast_in_dim3A_67 = vector.broadcast %broadcast_in_dim3A : f32 to vector<16xf32>
        %mul3A_68 = arith.constant 16 : i32
        %mul3A_69 = arith.muli %add3A_66, %mul3A_68 : i32
        %swap3A = arith.index_cast %add3A_56 : i32 to index
        %swap3A_70 = arith.index_cast %mul3A_69 : i32 to index
        %swap3A_71 = tpu.vector_load %arg11[%swap3A, %swap3A_70] {strides = array<i32>} : memref<640x128xf32, #tpu.memory_space<vmem>>, vector<16xf32>,
        tpu.vector_store %arg11[%swap3A, %swap3A_70], %broadcast_in_dim3A_67 {strides = array<i32>} : memref<640x128xf32, #tpu.memory_space<vmem>>, vector<16xf32>,
      }
      %scan3A_61 = arith.constant 8 : i32
    }
    %scan3A_4 = arith.constant 640 : i32
    %scan3A_5 = arith.constant 0 : i32
    %scan3A_6 = arith.constant 128 : i32
    %scan3A_7 = arith.addi %scan3A_5, %scan3A_6 : i32
    %scan3A_8 = arith.constant 1 : i32
    scf.for %scan3A_52 = %scan3A_5 to %scan3A_7 step %scan3A_8  : i32 {
      %mul3A_53 = arith.constant 1 : i32
      %mul3A_54 = arith.muli %scan3A_52, %mul3A_53 : i32
      %add3A_55 = arith.constant 0 : i32
      %add3A_56 = arith.addi %add3A_55, %mul3A_54 : i32
      %broadcast_in_dim3A = arith.constant 0 : i32
      %broadcast_in_dim3A_57 = vector.broadcast %broadcast_in_dim3A : i32 to vector<16xi32>
      %mul3A_58 = arith.constant 16 : i32
      %mul3A_59 = arith.muli %add3A_56, %mul3A_58 : i32
      %swap3A = arith.index_cast %mul3A_59 : i32 to index
      %swap3A_60 = tpu.vector_load %arg8[%swap3A] {strides = array<i32>} : memref<2048xi32, #tpu.memory_space<vmem>>, vector<16xi32>,
      tpu.vector_store %arg8[%swap3A], %broadcast_in_dim3A_57 {strides = array<i32>} : memref<2048xi32, #tpu.memory_space<vmem>>, vector<16xi32>,
      %broadcast_in_dim3A_61 = arith.constant 0 : i32
      %broadcast_in_dim3A_62 = vector.broadcast %broadcast_in_dim3A_61 : i32 to vector<16xi32>
      %mul3A_63 = arith.constant 16 : i32
      %mul3A_64 = arith.muli %add3A_56, %mul3A_63 : i32
      %swap3A_65 = arith.index_cast %mul3A_64 : i32 to index
      %swap3A_66 = tpu.vector_load %arg9[%swap3A_65] {strides = array<i32>} : memref<2048xi32, #tpu.memory_space<vmem>>, vector<16xi32>,
      tpu.vector_store %arg9[%swap3A_65], %broadcast_in_dim3A_62 {strides = array<i32>} : memref<2048xi32, #tpu.memory_space<vmem>>, vector<16xi32>,
    }
    %scan3A_9 = arith.constant 128 : i32
    %iota3A = tpu.iota {dimensions = array<i32: 0>} : vector<16xi32>
    %scan3A_10 = arith.constant 0 : i32
    %scan3A_11 = arith.constant 0 : i32
    %scan3A_12 = arith.constant 125 : i32
    %scan3A_13 = arith.addi %scan3A_11, %scan3A_12 : i32
    %scan3A_14 = arith.constant 1 : i32
    %scan3A_15 = scf.for %scan3A_52 = %scan3A_11 to %scan3A_13 step %scan3A_14 iter_args(%scan3A_53 = %scan3A_10) -> (i32)  : i32 {
      %mul3A_54 = arith.constant 160000 : i32
      %mul3A_55 = arith.muli %arg0, %mul3A_54 : i32
      %mul3A_56 = arith.constant 1280 : i32
      %mul3A_57 = arith.muli %scan3A_52, %mul3A_56 : i32
      %add3A_58 = arith.addi %mul3A_55, %mul3A_57 : i32
      "tpu.region"() ({
        %run_scoped3A = tpu.sem_alloc : memref<!tpu.dma_semaphore, #tpu.memory_space<semaphore_mem>>
        %dma_start3A = tpu.memref_slice %arg3[%add3A_58] : memref<320000xi32, #tpu.memory_space<hbm>> -> memref<1280xi32, #tpu.memory_space<hbm>>
        %dma_start3A_69 = tpu.memref_slice %arg3[%add3A_58] : memref<320000xi32, #tpu.memory_space<hbm>> -> memref<1280xi32, #tpu.memory_space<hbm>>
        tpu.enqueue_dma source(%dma_start3A_69 : memref<1280xi32, #tpu.memory_space<hbm>>) target(%arg6 : memref<1280xi32, #tpu.memory_space<vmem>>) target_semaphore(%run_scoped3A : memref<!tpu.dma_semaphore, #tpu.memory_space<semaphore_mem>>)
        %dma_wait3A = tpu.memref_slice %arg3[%add3A_58] : memref<320000xi32, #tpu.memory_space<hbm>> -> memref<1280xi32, #tpu.memory_space<hbm>>
        %dma_wait3A_70 = tpu.memref_slice %arg3[%add3A_58] : memref<320000xi32, #tpu.memory_space<hbm>> -> memref<1280xi32, #tpu.memory_space<hbm>>
        tpu.wait_dma2 semaphore(%run_scoped3A : memref<!tpu.dma_semaphore, #tpu.memory_space<semaphore_mem>>) src(%dma_wait3A_70 : memref<1280xi32, #tpu.memory_space<hbm>>) dst(%arg6 : memref<1280xi32, #tpu.memory_space<vmem>>)
        tpu.yield
      }) : () -> ()
      "tpu.region"() ({
        %run_scoped3A = tpu.sem_alloc : memref<!tpu.dma_semaphore, #tpu.memory_space<semaphore_mem>>
        %dma_start3A = tpu.memref_slice %arg4[%add3A_58] : memref<320000xi32, #tpu.memory_space<hbm>> -> memref<1280xi32, #tpu.memory_space<hbm>>
        %dma_start3A_69 = tpu.memref_slice %arg4[%add3A_58] : memref<320000xi32, #tpu.memory_space<hbm>> -> memref<1280xi32, #tpu.memory_space<hbm>>
        tpu.enqueue_dma source(%dma_start3A_69 : memref<1280xi32, #tpu.memory_space<hbm>>) target(%arg7 : memref<1280xi32, #tpu.memory_space<vmem>>) target_semaphore(%run_scoped3A : memref<!tpu.dma_semaphore, #tpu.memory_space<semaphore_mem>>)
        %dma_wait3A = tpu.memref_slice %arg4[%add3A_58] : memref<320000xi32, #tpu.memory_space<hbm>> -> memref<1280xi32, #tpu.memory_space<hbm>>
        %dma_wait3A_70 = tpu.memref_slice %arg4[%add3A_58] : memref<320000xi32, #tpu.memory_space<hbm>> -> memref<1280xi32, #tpu.memory_space<hbm>>
        tpu.wait_dma2 semaphore(%run_scoped3A : memref<!tpu.dma_semaphore, #tpu.memory_space<semaphore_mem>>) src(%dma_wait3A_70 : memref<1280xi32, #tpu.memory_space<hbm>>) dst(%arg7 : memref<1280xi32, #tpu.memory_space<vmem>>)
        tpu.yield
      }) : () -> ()
      %scan3A_59 = arith.constant 0 : i32
      %scan3A_60 = arith.constant 80 : i32
      %scan3A_61 = arith.addi %scan3A_59, %scan3A_60 : i32
      %scan3A_62 = arith.constant 1 : i32
      %scan3A_63 = scf.for %scan3A_69 = %scan3A_59 to %scan3A_61 step %scan3A_62 iter_args(%scan3A_70 = %scan3A_53) -> (i32)  : i32 {
        %mul3A_71 = arith.constant 16 : i32
        %mul3A_72 = arith.muli %scan3A_69, %mul3A_71 : i32
        %get3A = arith.index_cast %mul3A_72 : i32 to index
        %get3A_73 = tpu.vector_load %arg6[%get3A] {strides = array<i32>} : memref<1280xi32, #tpu.memory_space<vmem>>, vector<16xi32>,
        %mul3A_74 = arith.constant 16 : i32
        %mul3A_75 = arith.muli %scan3A_69, %mul3A_74 : i32
        %get3A_76 = arith.index_cast %mul3A_75 : i32 to index
        %get3A_77 = tpu.vector_load %arg7[%get3A_76] {strides = array<i32>} : memref<1280xi32, #tpu.memory_space<vmem>>, vector<16xi32>,
        %sub3A_78 = vector.broadcast %mul3A_0 : i32 to vector<16xi32>
        %sub3A_79 = arith.subi %get3A_77, %sub3A_78 : vector<16xi32>
        %ge3A = arith.constant 0 : i32
        %ge3A_80 = vector.broadcast %ge3A : i32 to vector<16xi32>
        %ge3A_81 = arith.cmpi sge, %sub3A_79, %ge3A_80 : vector<16xi32>
        %lt3A = arith.constant 640 : i32
        %lt3A_82 = vector.broadcast %lt3A : i32 to vector<16xi32>
        %lt3A_83 = arith.cmpi slt, %sub3A_79, %lt3A_82 : vector<16xi32>
        %and3A_84 = arith.andi %ge3A_81, %lt3A_83 : vector<16xi1>
        %swap3A = arith.index_cast %scan3A_70 : i32 to index
        %swap3A_85 = tpu.vector_load %arg8[%swap3A] masked %and3A_84 {strides = array<i32>} : memref<2048xi32, #tpu.memory_space<vmem>>, vector<16xi32>, vector<16xi1>
        tpu.vector_store %arg8[%swap3A], %get3A_73 masked %and3A_84 {strides = array<i32>} : memref<2048xi32, #tpu.memory_space<vmem>>, vector<16xi32>, vector<16xi1>
        %swap3A_86 = arith.index_cast %scan3A_70 : i32 to index
        %swap3A_87 = tpu.vector_load %arg9[%swap3A_86] masked %and3A_84 {strides = array<i32>} : memref<2048xi32, #tpu.memory_space<vmem>>, vector<16xi32>, vector<16xi1>
        tpu.vector_store %arg9[%swap3A_86], %sub3A_79 masked %and3A_84 {strides = array<i32>} : memref<2048xi32, #tpu.memory_space<vmem>>, vector<16xi32>, vector<16xi1>
        %all_reduce_population_count3A = tpu.all_reduce %and3A_84 {dim = 0 : i64, kind = #tpu.reduction_kind<sum>} : vector<16xi1> -> vector<16xi32>
        %slice3A = vector.extract_strided_slice %all_reduce_population_count3A {offsets = [0], sizes = [1], strides = [1]} : vector<16xi32> to vector<1xi32>
        %squeeze3A = vector.extract %slice3A[0] : i32 from vector<1xi32>
        %add3A_88 = arith.addi %scan3A_70, %squeeze3A : i32
        scf.yield %add3A_88 : i32
      }
      %scan3A_64 = arith.constant 80 : i32
      %gt3A = arith.constant 768 : i32
      %gt3A_65 = arith.cmpi sgt, %scan3A_63, %gt3A : i32
      %convert_element_type3A = arith.extui %gt3A_65 : i1 to i32
      %cond3A = arith.constant 0 : i32
      %cond3A_66 = arith.cmpi ne, %convert_element_type3A, %cond3A : i32
      scf.if %cond3A_66 {
        %add3A_69 = arith.constant 128 : i32
        %add3A_70 = arith.addi %scan3A_63, %add3A_69 : i32
        %sub3A_71 = arith.constant 1 : i32
        %sub3A_72 = arith.subi %add3A_70, %sub3A_71 : i32
        %jit3A_73 = arith.constant 128 : i32
        %div3A_74 = arith.divsi %sub3A_72, %jit3A_73 : i32
        %sign3A_75 = arith.constant 0 : i32
        %sign3A_76 = arith.cmpi sgt, %sub3A_72, %sign3A_75 : i32
        %sign3A_77 = arith.extui %sign3A_76 : i1 to i32
        %sign3A_78 = arith.constant 0 : i32
        %sign3A_79 = arith.cmpi slt, %sub3A_72, %sign3A_78 : i32
        %sign3A_80 = arith.extui %sign3A_79 : i1 to i32
        %sign3A_81 = arith.subi %sign3A_77, %sign3A_80 : i32
        %sign3A_82 = arith.constant 0 : i32
        %sign3A_83 = arith.cmpi sgt, %jit3A_73, %sign3A_82 : i32
        %sign3A_84 = arith.extui %sign3A_83 : i1 to i32
        %sign3A_85 = arith.constant 0 : i32
        %sign3A_86 = arith.cmpi slt, %jit3A_73, %sign3A_85 : i32
        %sign3A_87 = arith.extui %sign3A_86 : i1 to i32
        %sign3A_88 = arith.subi %sign3A_84, %sign3A_87 : i32
        %ne3A_89 = arith.cmpi ne, %sign3A_81, %sign3A_88 : i32
        %rem3A_90 = arith.remsi %sub3A_72, %jit3A_73 : i32
        %ne3A_91 = arith.constant 0 : i32
        %ne3A_92 = arith.cmpi ne, %rem3A_90, %ne3A_91 : i32
        %and3A_93 = arith.andi %ne3A_89, %ne3A_92 : i1
        %sub3A_94 = arith.constant 1 : i32
        %sub3A_95 = arith.subi %div3A_74, %sub3A_94 : i32
        %select_n3A_96 = arith.select %and3A_93, %sub3A_95, %div3A_74 : i32
        %while3A_97 = arith.constant 0 : i32
        %while3A_98 = arith.constant 0 : i32
        %while3A_99 = arith.subi %select_n3A_96, %while3A_97 : i32
        %while3A_100 = arith.addi %while3A_97, %while3A_99 : i32
        %while3A_101 = arith.constant 1 : i32
        %while3A_102 = arith.divsi %while3A_99, %while3A_101 : i32
        %while3A_103 = arith.muli %while3A_102, %while3A_101 : i32
        %while3A_104 = arith.addi %while3A_97, %while3A_103 : i32
        %while3A_105 = arith.constant 1 : i32
        %while3A_106 = scf.for %while3A_109 = %while3A_97 to %while3A_104 step %while3A_105 iter_args(%while3A_110 = %while3A_98) -> (i32)  : i32 {
          %mul3A_111 = arith.constant 128 : i32
          %mul3A_112 = arith.muli %while3A_109, %mul3A_111 : i32
          %sub3A_113 = arith.subi %scan3A_63, %mul3A_112 : i32
          %dma_start3A = tpu.memref_slice %arg8[%mul3A_112] : memref<2048xi32, #tpu.memory_space<vmem>> -> memref<128xi32, #tpu.memory_space<vmem>>
          %dma_start3A_114 = arith.constant 0 : i32
          %dma_start3A_115 = arith.constant 0 : i32
          %dma_start3A_116 = tpu.memref_slice %arg2[%dma_start3A_114, %dma_start3A_115] : memref<10000x128xf32, #tpu.memory_space<hbm>> -> memref<10000x128xf32, #tpu.memory_space<hbm>>
          tpu.enqueue_indirect_dma source(%dma_start3A_116 : memref<10000x128xf32, #tpu.memory_space<hbm>>) target(%arg10 : memref<128x128xf32, #tpu.memory_space<vmem>>) offsets(%dma_start3A : memref<128xi32, #tpu.memory_space<vmem>>) semaphore(%arg12 : memref<!tpu.dma_semaphore, #tpu.memory_space<semaphore_mem>>)
          %dma_wait3A = tpu.memref_slice %arg8[%mul3A_112] : memref<2048xi32, #tpu.memory_space<vmem>> -> memref<128xi32, #tpu.memory_space<vmem>>
          %dma_wait3A_117 = arith.constant 0 : i32
          %dma_wait3A_118 = arith.constant 0 : i32
          %dma_wait3A_119 = tpu.memref_slice %arg2[%dma_wait3A_117, %dma_wait3A_118] : memref<10000x128xf32, #tpu.memory_space<hbm>> -> memref<10000x128xf32, #tpu.memory_space<hbm>>
          tpu.wait_indirect_dma semaphore(%arg12 : memref<!tpu.dma_semaphore, #tpu.memory_space<semaphore_mem>>) src(%dma_wait3A_119 : memref<10000x128xf32, #tpu.memory_space<hbm>>) dst(%arg10 : memref<128x128xf32, #tpu.memory_space<vmem>>)
          %scan3A_120 = arith.constant 0 : i32
          %scan3A_121 = arith.constant 8 : i32
          %scan3A_122 = arith.addi %scan3A_120, %scan3A_121 : i32
          %scan3A_123 = arith.constant 1 : i32
          scf.for %scan3A_126 = %scan3A_120 to %scan3A_122 step %scan3A_123  : i32 {
            %mul3A_127 = arith.constant 1 : i32
            %mul3A_128 = arith.muli %scan3A_126, %mul3A_127 : i32
            %add3A_129 = arith.constant 0 : i32
            %add3A_130 = arith.addi %add3A_129, %mul3A_128 : i32
            %mul3A_131 = arith.constant 16 : i32
            %mul3A_132 = arith.muli %add3A_130, %mul3A_131 : i32
            %sub3A_133 = arith.subi %sub3A_113, %mul3A_132 : i32
            %lt3A = vector.broadcast %sub3A_133 : i32 to vector<16xi32>
            %lt3A_134 = arith.cmpi slt, %iota3A, %lt3A : vector<16xi32>
            %mul3A_135 = arith.constant 16 : i32
            %mul3A_136 = arith.muli %add3A_130, %mul3A_135 : i32
            %add3A_137 = arith.addi %mul3A_112, %mul3A_136 : i32
            %get3A = arith.index_cast %add3A_137 : i32 to index
            %get3A_138 = tpu.vector_load %arg9[%get3A] {strides = array<i32>} : memref<2048xi32, #tpu.memory_space<vmem>>, vector<16xi32>,
            %mul3A_139 = arith.constant 16 : i32
            %mul3A_140 = arith.muli %add3A_130, %mul3A_139 : i32
            %add3A_141 = vector.broadcast %mul3A_140 : i32 to vector<16xi32>
            %add3A_142 = arith.addi %iota3A, %add3A_141 : vector<16xi32>
            %scan3A_143 = arith.constant 0 : i32
            %scan3A_144 = arith.constant 128 : i32
            %scan3A_145 = arith.addi %scan3A_143, %scan3A_144 : i32
            %scan3A_146 = arith.constant 1 : i32
            scf.for %scan3A_148 = %scan3A_143 to %scan3A_145 step %scan3A_146  : i32 {
              %mul3A_149 = arith.constant 1 : i32
              %mul3A_150 = arith.muli %scan3A_148, %mul3A_149 : i32
              %add3A_151 = arith.constant 0 : i32
              %add3A_152 = arith.addi %add3A_151, %mul3A_150 : i32
              %broadcast_in_dim3A = vector.broadcast %add3A_152 : i32 to vector<16xi32>
              %gather3A = tpu.vector_load_idx %arg10[%add3A_142, %broadcast_in_dim3A] : memref<128x128xf32, #tpu.memory_space<vmem>>[vector<16xi32>, vector<16xi32>], vector<16xf32>,
              tpu.vector_store_idx %arg11[%get3A_138, %broadcast_in_dim3A], %gather3A masked %lt3A_134 {add = true} : memref<640x128xf32, #tpu.memory_space<vmem>>[vector<16xi32>, vector<16xi32>], vector<16xf32>, vector<16xi1>
            }
            %scan3A_147 = arith.constant 128 : i32
          }
          %scan3A_124 = arith.constant 8 : i32
          %while3A_125 = arith.constant 0 : i32
          scf.yield %while3A_125 : i32
        }
        %while3A_107 = arith.constant 1 : i32
        %while3A_108 = scf.for %while3A_109 = %while3A_104 to %while3A_100 step %while3A_107 iter_args(%while3A_110 = %while3A_106) -> (i32)  : i32 {
          %mul3A_111 = arith.constant 128 : i32
          %mul3A_112 = arith.muli %while3A_109, %mul3A_111 : i32
          %sub3A_113 = arith.subi %scan3A_63, %mul3A_112 : i32
          %dma_start3A = tpu.memref_slice %arg8[%mul3A_112] : memref<2048xi32, #tpu.memory_space<vmem>> -> memref<128xi32, #tpu.memory_space<vmem>>
          %dma_start3A_114 = arith.constant 0 : i32
          %dma_start3A_115 = arith.constant 0 : i32
          %dma_start3A_116 = tpu.memref_slice %arg2[%dma_start3A_114, %dma_start3A_115] : memref<10000x128xf32, #tpu.memory_space<hbm>> -> memref<10000x128xf32, #tpu.memory_space<hbm>>
          tpu.enqueue_indirect_dma source(%dma_start3A_116 : memref<10000x128xf32, #tpu.memory_space<hbm>>) target(%arg10 : memref<128x128xf32, #tpu.memory_space<vmem>>) offsets(%dma_start3A : memref<128xi32, #tpu.memory_space<vmem>>) semaphore(%arg12 : memref<!tpu.dma_semaphore, #tpu.memory_space<semaphore_mem>>)
          %dma_wait3A = tpu.memref_slice %arg8[%mul3A_112] : memref<2048xi32, #tpu.memory_space<vmem>> -> memref<128xi32, #tpu.memory_space<vmem>>
          %dma_wait3A_117 = arith.constant 0 : i32
          %dma_wait3A_118 = arith.constant 0 : i32
          %dma_wait3A_119 = tpu.memref_slice %arg2[%dma_wait3A_117, %dma_wait3A_118] : memref<10000x128xf32, #tpu.memory_space<hbm>> -> memref<10000x128xf32, #tpu.memory_space<hbm>>
          tpu.wait_indirect_dma semaphore(%arg12 : memref<!tpu.dma_semaphore, #tpu.memory_space<semaphore_mem>>) src(%dma_wait3A_119 : memref<10000x128xf32, #tpu.memory_space<hbm>>) dst(%arg10 : memref<128x128xf32, #tpu.memory_space<vmem>>)
          %scan3A_120 = arith.constant 0 : i32
          %scan3A_121 = arith.constant 8 : i32
          %scan3A_122 = arith.addi %scan3A_120, %scan3A_121 : i32
          %scan3A_123 = arith.constant 1 : i32
          scf.for %scan3A_126 = %scan3A_120 to %scan3A_122 step %scan3A_123  : i32 {
            %mul3A_127 = arith.constant 1 : i32
            %mul3A_128 = arith.muli %scan3A_126, %mul3A_127 : i32
            %add3A_129 = arith.constant 0 : i32
            %add3A_130 = arith.addi %add3A_129, %mul3A_128 : i32
            %mul3A_131 = arith.constant 16 : i32
            %mul3A_132 = arith.muli %add3A_130, %mul3A_131 : i32
            %sub3A_133 = arith.subi %sub3A_113, %mul3A_132 : i32
            %lt3A = vector.broadcast %sub3A_133 : i32 to vector<16xi32>
            %lt3A_134 = arith.cmpi slt, %iota3A, %lt3A : vector<16xi32>
            %mul3A_135 = arith.constant 16 : i32
            %mul3A_136 = arith.muli %add3A_130, %mul3A_135 : i32
            %add3A_137 = arith.addi %mul3A_112, %mul3A_136 : i32
            %get3A = arith.index_cast %add3A_137 : i32 to index
            %get3A_138 = tpu.vector_load %arg9[%get3A] {strides = array<i32>} : memref<2048xi32, #tpu.memory_space<vmem>>, vector<16xi32>,
            %mul3A_139 = arith.constant 16 : i32
            %mul3A_140 = arith.muli %add3A_130, %mul3A_139 : i32
            %add3A_141 = vector.broadcast %mul3A_140 : i32 to vector<16xi32>
            %add3A_142 = arith.addi %iota3A, %add3A_141 : vector<16xi32>
            %scan3A_143 = arith.constant 0 : i32
            %scan3A_144 = arith.constant 128 : i32
            %scan3A_145 = arith.addi %scan3A_143, %scan3A_144 : i32
            %scan3A_146 = arith.constant 1 : i32
            scf.for %scan3A_148 = %scan3A_143 to %scan3A_145 step %scan3A_146  : i32 {
              %mul3A_149 = arith.constant 1 : i32
              %mul3A_150 = arith.muli %scan3A_148, %mul3A_149 : i32
              %add3A_151 = arith.constant 0 : i32
              %add3A_152 = arith.addi %add3A_151, %mul3A_150 : i32
              %broadcast_in_dim3A = vector.broadcast %add3A_152 : i32 to vector<16xi32>
              %gather3A = tpu.vector_load_idx %arg10[%add3A_142, %broadcast_in_dim3A] : memref<128x128xf32, #tpu.memory_space<vmem>>[vector<16xi32>, vector<16xi32>], vector<16xf32>,
              tpu.vector_store_idx %arg11[%get3A_138, %broadcast_in_dim3A], %gather3A masked %lt3A_134 {add = true} : memref<640x128xf32, #tpu.memory_space<vmem>>[vector<16xi32>, vector<16xi32>], vector<16xf32>, vector<16xi1>
            }
            %scan3A_147 = arith.constant 128 : i32
          }
          %scan3A_124 = arith.constant 8 : i32
          %while3A_125 = arith.constant 0 : i32
          scf.yield %while3A_125 : i32
        }
      } else {
      }
      %jit3A_67 = arith.constant 0 : i32
      %select_n3A_68 = arith.select %gt3A_65, %jit3A_67, %scan3A_63 : i32
      scf.yield %select_n3A_68 : i32
    }
    %scan3A_16 = arith.constant 125 : i32
    %add3A = arith.constant 128 : i32
    %add3A_17 = arith.addi %scan3A_15, %add3A : i32
    %sub3A = arith.constant 1 : i32
    %sub3A_18 = arith.subi %add3A_17, %sub3A : i32
    %jit3A = arith.constant 128 : i32
    %div3A = arith.divsi %sub3A_18, %jit3A : i32
    %sign3A = arith.constant 0 : i32
    %sign3A_19 = arith.cmpi sgt, %sub3A_18, %sign3A : i32
    %sign3A_20 = arith.extui %sign3A_19 : i1 to i32
    %sign3A_21 = arith.constant 0 : i32
    %sign3A_22 = arith.cmpi slt, %sub3A_18, %sign3A_21 : i32
    %sign3A_23 = arith.extui %sign3A_22 : i1 to i32
    %sign3A_24 = arith.subi %sign3A_20, %sign3A_23 : i32
    %sign3A_25 = arith.constant 0 : i32
    %sign3A_26 = arith.cmpi sgt, %jit3A, %sign3A_25 : i32
    %sign3A_27 = arith.extui %sign3A_26 : i1 to i32
    %sign3A_28 = arith.constant 0 : i32
    %sign3A_29 = arith.cmpi slt, %jit3A, %sign3A_28 : i32
    %sign3A_30 = arith.extui %sign3A_29 : i1 to i32
    %sign3A_31 = arith.subi %sign3A_27, %sign3A_30 : i32
    %ne3A = arith.cmpi ne, %sign3A_24, %sign3A_31 : i32
    %rem3A = arith.remsi %sub3A_18, %jit3A : i32
    %ne3A_32 = arith.constant 0 : i32
    %ne3A_33 = arith.cmpi ne, %rem3A, %ne3A_32 : i32
    %and3A = arith.andi %ne3A, %ne3A_33 : i1
    %sub3A_34 = arith.constant 1 : i32
    %sub3A_35 = arith.subi %div3A, %sub3A_34 : i32
    %select_n3A = arith.select %and3A, %sub3A_35, %div3A : i32
    %while3A = arith.constant 0 : i32
    %while3A_36 = arith.constant 0 : i32
    %while3A_37 = arith.subi %select_n3A, %while3A : i32
    %while3A_38 = arith.addi %while3A, %while3A_37 : i32
    %while3A_39 = arith.constant 1 : i32
    %while3A_40 = arith.divsi %while3A_37, %while3A_39 : i32
    %while3A_41 = arith.muli %while3A_40, %while3A_39 : i32
    %while3A_42 = arith.addi %while3A, %while3A_41 : i32
    %while3A_43 = arith.constant 1 : i32
    %while3A_44 = scf.for %while3A_52 = %while3A to %while3A_42 step %while3A_43 iter_args(%while3A_53 = %while3A_36) -> (i32)  : i32 {
      %mul3A_54 = arith.constant 128 : i32
      %mul3A_55 = arith.muli %while3A_52, %mul3A_54 : i32
      %sub3A_56 = arith.subi %scan3A_15, %mul3A_55 : i32
      %dma_start3A = tpu.memref_slice %arg8[%mul3A_55] : memref<2048xi32, #tpu.memory_space<vmem>> -> memref<128xi32, #tpu.memory_space<vmem>>
      %dma_start3A_57 = arith.constant 0 : i32
      %dma_start3A_58 = arith.constant 0 : i32
      %dma_start3A_59 = tpu.memref_slice %arg2[%dma_start3A_57, %dma_start3A_58] : memref<10000x128xf32, #tpu.memory_space<hbm>> -> memref<10000x128xf32, #tpu.memory_space<hbm>>
      tpu.enqueue_indirect_dma source(%dma_start3A_59 : memref<10000x128xf32, #tpu.memory_space<hbm>>) target(%arg10 : memref<128x128xf32, #tpu.memory_space<vmem>>) offsets(%dma_start3A : memref<128xi32, #tpu.memory_space<vmem>>) semaphore(%arg12 : memref<!tpu.dma_semaphore, #tpu.memory_space<semaphore_mem>>)
      %dma_wait3A = tpu.memref_slice %arg8[%mul3A_55] : memref<2048xi32, #tpu.memory_space<vmem>> -> memref<128xi32, #tpu.memory_space<vmem>>
      %dma_wait3A_60 = arith.constant 0 : i32
      %dma_wait3A_61 = arith.constant 0 : i32
      %dma_wait3A_62 = tpu.memref_slice %arg2[%dma_wait3A_60, %dma_wait3A_61] : memref<10000x128xf32, #tpu.memory_space<hbm>> -> memref<10000x128xf32, #tpu.memory_space<hbm>>
      tpu.wait_indirect_dma semaphore(%arg12 : memref<!tpu.dma_semaphore, #tpu.memory_space<semaphore_mem>>) src(%dma_wait3A_62 : memref<10000x128xf32, #tpu.memory_space<hbm>>) dst(%arg10 : memref<128x128xf32, #tpu.memory_space<vmem>>)
      %scan3A_63 = arith.constant 0 : i32
      %scan3A_64 = arith.constant 8 : i32
      %scan3A_65 = arith.addi %scan3A_63, %scan3A_64 : i32
      %scan3A_66 = arith.constant 1 : i32
      scf.for %scan3A_69 = %scan3A_63 to %scan3A_65 step %scan3A_66  : i32 {
        %mul3A_70 = arith.constant 1 : i32
        %mul3A_71 = arith.muli %scan3A_69, %mul3A_70 : i32
        %add3A_72 = arith.constant 0 : i32
        %add3A_73 = arith.addi %add3A_72, %mul3A_71 : i32
        %mul3A_74 = arith.constant 16 : i32
        %mul3A_75 = arith.muli %add3A_73, %mul3A_74 : i32
        %sub3A_76 = arith.subi %sub3A_56, %mul3A_75 : i32
        %lt3A = vector.broadcast %sub3A_76 : i32 to vector<16xi32>
        %lt3A_77 = arith.cmpi slt, %iota3A, %lt3A : vector<16xi32>
        %mul3A_78 = arith.constant 16 : i32
        %mul3A_79 = arith.muli %add3A_73, %mul3A_78 : i32
        %add3A_80 = arith.addi %mul3A_55, %mul3A_79 : i32
        %get3A = arith.index_cast %add3A_80 : i32 to index
        %get3A_81 = tpu.vector_load %arg9[%get3A] {strides = array<i32>} : memref<2048xi32, #tpu.memory_space<vmem>>, vector<16xi32>,
        %mul3A_82 = arith.constant 16 : i32
        %mul3A_83 = arith.muli %add3A_73, %mul3A_82 : i32
        %add3A_84 = vector.broadcast %mul3A_83 : i32 to vector<16xi32>
        %add3A_85 = arith.addi %iota3A, %add3A_84 : vector<16xi32>
        %scan3A_86 = arith.constant 0 : i32
        %scan3A_87 = arith.constant 128 : i32
        %scan3A_88 = arith.addi %scan3A_86, %scan3A_87 : i32
        %scan3A_89 = arith.constant 1 : i32
        scf.for %scan3A_91 = %scan3A_86 to %scan3A_88 step %scan3A_89  : i32 {
          %mul3A_92 = arith.constant 1 : i32
          %mul3A_93 = arith.muli %scan3A_91, %mul3A_92 : i32
          %add3A_94 = arith.constant 0 : i32
          %add3A_95 = arith.addi %add3A_94, %mul3A_93 : i32
          %broadcast_in_dim3A = vector.broadcast %add3A_95 : i32 to vector<16xi32>
          %gather3A = tpu.vector_load_idx %arg10[%add3A_85, %broadcast_in_dim3A] : memref<128x128xf32, #tpu.memory_space<vmem>>[vector<16xi32>, vector<16xi32>], vector<16xf32>,
          tpu.vector_store_idx %arg11[%get3A_81, %broadcast_in_dim3A], %gather3A masked %lt3A_77 {add = true} : memref<640x128xf32, #tpu.memory_space<vmem>>[vector<16xi32>, vector<16xi32>], vector<16xf32>, vector<16xi1>
        }
        %scan3A_90 = arith.constant 128 : i32
      }
      %scan3A_67 = arith.constant 8 : i32
      %while3A_68 = arith.constant 0 : i32
      scf.yield %while3A_68 : i32
    }
    %while3A_45 = arith.constant 1 : i32
    %while3A_46 = scf.for %while3A_52 = %while3A_42 to %while3A_38 step %while3A_45 iter_args(%while3A_53 = %while3A_44) -> (i32)  : i32 {
      %mul3A_54 = arith.constant 128 : i32
      %mul3A_55 = arith.muli %while3A_52, %mul3A_54 : i32
      %sub3A_56 = arith.subi %scan3A_15, %mul3A_55 : i32
      %dma_start3A = tpu.memref_slice %arg8[%mul3A_55] : memref<2048xi32, #tpu.memory_space<vmem>> -> memref<128xi32, #tpu.memory_space<vmem>>
      %dma_start3A_57 = arith.constant 0 : i32
      %dma_start3A_58 = arith.constant 0 : i32
      %dma_start3A_59 = tpu.memref_slice %arg2[%dma_start3A_57, %dma_start3A_58] : memref<10000x128xf32, #tpu.memory_space<hbm>> -> memref<10000x128xf32, #tpu.memory_space<hbm>>
      tpu.enqueue_indirect_dma source(%dma_start3A_59 : memref<10000x128xf32, #tpu.memory_space<hbm>>) target(%arg10 : memref<128x128xf32, #tpu.memory_space<vmem>>) offsets(%dma_start3A : memref<128xi32, #tpu.memory_space<vmem>>) semaphore(%arg12 : memref<!tpu.dma_semaphore, #tpu.memory_space<semaphore_mem>>)
      %dma_wait3A = tpu.memref_slice %arg8[%mul3A_55] : memref<2048xi32, #tpu.memory_space<vmem>> -> memref<128xi32, #tpu.memory_space<vmem>>
      %dma_wait3A_60 = arith.constant 0 : i32
      %dma_wait3A_61 = arith.constant 0 : i32
      %dma_wait3A_62 = tpu.memref_slice %arg2[%dma_wait3A_60, %dma_wait3A_61] : memref<10000x128xf32, #tpu.memory_space<hbm>> -> memref<10000x128xf32, #tpu.memory_space<hbm>>
      tpu.wait_indirect_dma semaphore(%arg12 : memref<!tpu.dma_semaphore, #tpu.memory_space<semaphore_mem>>) src(%dma_wait3A_62 : memref<10000x128xf32, #tpu.memory_space<hbm>>) dst(%arg10 : memref<128x128xf32, #tpu.memory_space<vmem>>)
      %scan3A_63 = arith.constant 0 : i32
      %scan3A_64 = arith.constant 8 : i32
      %scan3A_65 = arith.addi %scan3A_63, %scan3A_64 : i32
      %scan3A_66 = arith.constant 1 : i32
      scf.for %scan3A_69 = %scan3A_63 to %scan3A_65 step %scan3A_66  : i32 {
        %mul3A_70 = arith.constant 1 : i32
        %mul3A_71 = arith.muli %scan3A_69, %mul3A_70 : i32
        %add3A_72 = arith.constant 0 : i32
        %add3A_73 = arith.addi %add3A_72, %mul3A_71 : i32
        %mul3A_74 = arith.constant 16 : i32
        %mul3A_75 = arith.muli %add3A_73, %mul3A_74 : i32
        %sub3A_76 = arith.subi %sub3A_56, %mul3A_75 : i32
        %lt3A = vector.broadcast %sub3A_76 : i32 to vector<16xi32>
        %lt3A_77 = arith.cmpi slt, %iota3A, %lt3A : vector<16xi32>
        %mul3A_78 = arith.constant 16 : i32
        %mul3A_79 = arith.muli %add3A_73, %mul3A_78 : i32
        %add3A_80 = arith.addi %mul3A_55, %mul3A_79 : i32
        %get3A = arith.index_cast %add3A_80 : i32 to index
        %get3A_81 = tpu.vector_load %arg9[%get3A] {strides = array<i32>} : memref<2048xi32, #tpu.memory_space<vmem>>, vector<16xi32>,
        %mul3A_82 = arith.constant 16 : i32
        %mul3A_83 = arith.muli %add3A_73, %mul3A_82 : i32
        %add3A_84 = vector.broadcast %mul3A_83 : i32 to vector<16xi32>
        %add3A_85 = arith.addi %iota3A, %add3A_84 : vector<16xi32>
        %scan3A_86 = arith.constant 0 : i32
        %scan3A_87 = arith.constant 128 : i32
        %scan3A_88 = arith.addi %scan3A_86, %scan3A_87 : i32
        %scan3A_89 = arith.constant 1 : i32
        scf.for %scan3A_91 = %scan3A_86 to %scan3A_88 step %scan3A_89  : i32 {
          %mul3A_92 = arith.constant 1 : i32
          %mul3A_93 = arith.muli %scan3A_91, %mul3A_92 : i32
          %add3A_94 = arith.constant 0 : i32
          %add3A_95 = arith.addi %add3A_94, %mul3A_93 : i32
          %broadcast_in_dim3A = vector.broadcast %add3A_95 : i32 to vector<16xi32>
          %gather3A = tpu.vector_load_idx %arg10[%add3A_85, %broadcast_in_dim3A] : memref<128x128xf32, #tpu.memory_space<vmem>>[vector<16xi32>, vector<16xi32>], vector<16xf32>,
          tpu.vector_store_idx %arg11[%get3A_81, %broadcast_in_dim3A], %gather3A masked %lt3A_77 {add = true} : memref<640x128xf32, #tpu.memory_space<vmem>>[vector<16xi32>, vector<16xi32>], vector<16xf32>, vector<16xi1>
        }
        %scan3A_90 = arith.constant 128 : i32
      }
      %scan3A_67 = arith.constant 8 : i32
      %while3A_68 = arith.constant 0 : i32
      scf.yield %while3A_68 : i32
    }
    %scan3A_47 = arith.constant 0 : i32
    %scan3A_48 = arith.constant 5 : i32
    %scan3A_49 = arith.addi %scan3A_47, %scan3A_48 : i32
    %scan3A_50 = arith.constant 1 : i32
    scf.for %scan3A_52 = %scan3A_47 to %scan3A_49 step %scan3A_50  : i32 {
      %mul3A_53 = arith.constant 1 : i32
      %mul3A_54 = arith.muli %scan3A_52, %mul3A_53 : i32
      %add3A_55 = arith.constant 0 : i32
      %add3A_56 = arith.addi %add3A_55, %mul3A_54 : i32
      %mul3A_57 = arith.constant 128 : i32
      %mul3A_58 = arith.muli %add3A_56, %mul3A_57 : i32
      %mul3A_59 = arith.constant 128 : i32
      %mul3A_60 = arith.muli %add3A_56, %mul3A_59 : i32
      %add3A_61 = arith.addi %mul3A_0, %mul3A_60 : i32
      "tpu.region"() ({
        %run_scoped3A = tpu.sem_alloc : memref<!tpu.dma_semaphore, #tpu.memory_space<semaphore_mem>>
        %dma_start3A = arith.constant 0 : i32
        %dma_start3A_62 = tpu.memref_slice %arg11[%mul3A_58, %dma_start3A] : memref<640x128xf32, #tpu.memory_space<vmem>> -> memref<128x128xf32, #tpu.memory_space<vmem>>
        %dma_start3A_63 = arith.constant 0 : i32
        %dma_start3A_64 = tpu.memref_slice %arg5[%arg0, %add3A_61, %dma_start3A_63] : memref<2x10240x128xf32, #tpu.memory_space<hbm>> -> memref<1x128x128xf32, #tpu.memory_space<hbm>>
        %dma_start3A_65 = tpu.memref_squeeze %dma_start3A_64 : memref<1x128x128xf32, #tpu.memory_space<hbm>> -> memref<128x128xf32, #tpu.memory_space<hbm>>
        %dma_start3A_66 = arith.constant 0 : i32
        %dma_start3A_67 = tpu.memref_slice %arg5[%arg0, %add3A_61, %dma_start3A_66] : memref<2x10240x128xf32, #tpu.memory_space<hbm>> -> memref<1x128x128xf32, #tpu.memory_space<hbm>>
        %dma_start3A_68 = tpu.memref_squeeze %dma_start3A_67 : memref<1x128x128xf32, #tpu.memory_space<hbm>> -> memref<128x128xf32, #tpu.memory_space<hbm>>
        %dma_start3A_69 = arith.constant 0 : i32
        %dma_start3A_70 = tpu.memref_slice %arg11[%mul3A_58, %dma_start3A_69] : memref<640x128xf32, #tpu.memory_space<vmem>> -> memref<128x128xf32, #tpu.memory_space<vmem>>
        tpu.enqueue_dma source(%dma_start3A_70 : memref<128x128xf32, #tpu.memory_space<vmem>>) target(%dma_start3A_68 : memref<128x128xf32, #tpu.memory_space<hbm>>) target_semaphore(%run_scoped3A : memref<!tpu.dma_semaphore, #tpu.memory_space<semaphore_mem>>)
        %dma_wait3A = arith.constant 0 : i32
        %dma_wait3A_71 = tpu.memref_slice %arg11[%mul3A_58, %dma_wait3A] : memref<640x128xf32, #tpu.memory_space<vmem>> -> memref<128x128xf32, #tpu.memory_space<vmem>>
        %dma_wait3A_72 = arith.constant 0 : i32
        %dma_wait3A_73 = tpu.memref_slice %arg5[%arg0, %add3A_61, %dma_wait3A_72] : memref<2x10240x128xf32, #tpu.memory_space<hbm>> -> memref<1x128x128xf32, #tpu.memory_space<hbm>>
        %dma_wait3A_74 = tpu.memref_squeeze %dma_wait3A_73 : memref<1x128x128xf32, #tpu.memory_space<hbm>> -> memref<128x128xf32, #tpu.memory_space<hbm>>
        %dma_wait3A_75 = arith.constant 0 : i32
        %dma_wait3A_76 = tpu.memref_slice %arg5[%arg0, %add3A_61, %dma_wait3A_75] : memref<2x10240x128xf32, #tpu.memory_space<hbm>> -> memref<1x128x128xf32, #tpu.memory_space<hbm>>
        %dma_wait3A_77 = tpu.memref_squeeze %dma_wait3A_76 : memref<1x128x128xf32, #tpu.memory_space<hbm>> -> memref<128x128xf32, #tpu.memory_space<hbm>>
        %dma_wait3A_78 = arith.constant 0 : i32
        %dma_wait3A_79 = tpu.memref_slice %arg11[%mul3A_58, %dma_wait3A_78] : memref<640x128xf32, #tpu.memory_space<vmem>> -> memref<128x128xf32, #tpu.memory_space<vmem>>
        tpu.wait_dma2 semaphore(%run_scoped3A : memref<!tpu.dma_semaphore, #tpu.memory_space<semaphore_mem>>) src(%dma_wait3A_79 : memref<128x128xf32, #tpu.memory_space<vmem>>) dst(%dma_wait3A_77 : memref<128x128xf32, #tpu.memory_space<hbm>>)
        tpu.yield
      }) : () -> ()
    }
    %scan3A_51 = arith.constant 5 : i32
    return
  }
}

module attributes {stable_mosaic.version = 14 : i64} {
  func.func @_final_body(%arg0: i32, %arg1: memref<1280x128xf32, #tpu.memory_space<vmem>>, %arg2: memref<2x1280x128xf32, #tpu.memory_space<vmem>>, %arg3: memref<1280x128xf32, #tpu.memory_space<vmem>>, %arg4: memref<32x1280xf32, #tpu.memory_space<vmem>>, %arg5: memref<128x2xf32, #tpu.memory_space<vmem>>, %arg6: memref<128x2xf32, #tpu.memory_space<vmem>>, %arg7: memref<1x128xf32, #tpu.memory_space<vmem>>, %arg8: memref<1x2xf32, #tpu.memory_space<vmem>>, %arg9: memref<1280x2xf32, #tpu.memory_space<vmem>>) attributes {dimension_semantics = [#tpu.dimension_semantics<arbitrary>], iteration_bounds = array<i64: 8>, scalar_prefetch = 0 : i64, scratch_operands = 0 : i64, tpu.core_type = #tpu.core_type<tc>, window_params = [{transform_indices = @transform_0, window_bounds = array<i64: 1280, 128>}, {transform_indices = @transform_1, window_bounds = array<i64: 2, 1280, 128>}, {transform_indices = @transform_2, window_bounds = array<i64: 1280, 128>}, {transform_indices = @transform_3, window_bounds = array<i64: 32, 1280>}, {pipeline_mode = #tpu.pipeline_mode<synchronous>, transform_indices = @transform_4, window_bounds = array<i64: 128, 2>}, {pipeline_mode = #tpu.pipeline_mode<synchronous>, transform_indices = @transform_5, window_bounds = array<i64: 128, 2>}, {pipeline_mode = #tpu.pipeline_mode<synchronous>, transform_indices = @transform_6, window_bounds = array<i64: 1, 128>}, {pipeline_mode = #tpu.pipeline_mode<synchronous>, transform_indices = @transform_7, window_bounds = array<i64: 1, 2>}, {transform_indices = @transform_8, window_bounds = array<i64: 1280, 2>}]} {
    %get3A = arith.constant 0 : index
    %get3A_0 = arith.constant 0 : index
    %get3A_1 = vector.load %arg4[%get3A, %get3A_0] : memref<32x1280xf32, #tpu.memory_space<vmem>>, vector<32x1280xf32>
    %reduce_sum3A = arith.constant dense<0.000000e+00> : vector<1280xf32>
    %reduce_sum3A_2 = vector.multi_reduction <add>, %get3A_1, %reduce_sum3A [0] : vector<32x1280xf32> to vector<1280xf32>
    %add3A = arith.constant 1.000000e+00 : f32
    %add3A_3 = vector.broadcast %add3A : f32 to vector<1280xf32>
    %add3A_4 = arith.addf %reduce_sum3A_2, %add3A_3 : vector<1280xf32>
    %rsqrt3A = math.rsqrt %add3A_4 : vector<1280xf32>
    %get3A_5 = arith.constant 0 : index
    %get3A_6 = arith.constant 0 : index
    %get3A_7 = arith.constant 0 : index
    %get3A_8 = vector.load %arg2[%get3A_5, %get3A_6, %get3A_7] : memref<2x1280x128xf32, #tpu.memory_space<vmem>>, vector<1x1280x128xf32>
    %get3A_9 = vector.shape_cast %get3A_8 : vector<1x1280x128xf32> to vector<1280x128xf32>
    %get3A_10 = arith.constant 1 : index
    %get3A_11 = arith.constant 0 : index
    %get3A_12 = arith.constant 0 : index
    %get3A_13 = vector.load %arg2[%get3A_10, %get3A_11, %get3A_12] : memref<2x1280x128xf32, #tpu.memory_space<vmem>>, vector<1x1280x128xf32>
    %get3A_14 = vector.shape_cast %get3A_13 : vector<1x1280x128xf32> to vector<1280x128xf32>
    %add3A_15 = arith.addf %get3A_9, %get3A_14 : vector<1280x128xf32>
    %get3A_16 = arith.constant 0 : index
    %get3A_17 = arith.constant 0 : index
    %get3A_18 = vector.load %arg3[%get3A_16, %get3A_17] : memref<1280x128xf32, #tpu.memory_space<vmem>>, vector<1280x128xf32>
    %add3A_19 = arith.addf %add3A_15, %get3A_18 : vector<1280x128xf32>
    %broadcast_in_dim3A = vector.shape_cast %rsqrt3A : vector<1280xf32> to vector<1280x1xf32>
    %mul3A = vector.broadcast %broadcast_in_dim3A : vector<1280x1xf32> to vector<1280x128xf32>
    %mul3A_20 = arith.mulf %add3A_19, %mul3A : vector<1280x128xf32>
    %get3A_21 = arith.constant 0 : index
    %get3A_22 = arith.constant 0 : index
    %get3A_23 = vector.load %arg7[%get3A_21, %get3A_22] : memref<1x128xf32, #tpu.memory_space<vmem>>, vector<1x128xf32>
    %add3A_24 = vector.broadcast %get3A_23 : vector<1x128xf32> to vector<1280x128xf32>
    %add3A_25 = arith.addf %mul3A_20, %add3A_24 : vector<1280x128xf32>
    %max3A = arith.constant 0.000000e+00 : f32
    %max3A_26 = vector.broadcast %max3A : f32 to vector<1280x128xf32>
    %max3A_27 = arith.maximumf %add3A_25, %max3A_26 : vector<1280x128xf32>
    %get3A_28 = arith.constant 0 : index
    %get3A_29 = arith.constant 0 : index
    %get3A_30 = vector.load %arg1[%get3A_28, %get3A_29] : memref<1280x128xf32, #tpu.memory_space<vmem>>, vector<1280x128xf32>
    %get3A_31 = arith.constant 0 : index
    %get3A_32 = arith.constant 0 : index
    %get3A_33 = vector.load %arg5[%get3A_31, %get3A_32] : memref<128x2xf32, #tpu.memory_space<vmem>>, vector<128x2xf32>
    %dot_general3A = arith.constant dense<0.000000e+00> : vector<1280x2xf32>
    %dot_general3A_34 = tpu.matmul %get3A_30, %get3A_33, %dot_general3A {dimension_numbers = #tpu.dot_dimension_numbers<[1], [0], [0], [1], [0, 0, 1, 1], [], []>, transpose_lhs_hint = false} : vector<1280x128xf32>, vector<128x2xf32>, vector<1280x2xf32> -> vector<1280x2xf32>
    %get3A_35 = arith.constant 0 : index
    %get3A_36 = arith.constant 0 : index
    %get3A_37 = vector.load %arg6[%get3A_35, %get3A_36] : memref<128x2xf32, #tpu.memory_space<vmem>>, vector<128x2xf32>
    %dot_general3A_38 = arith.constant dense<0.000000e+00> : vector<1280x2xf32>
    %dot_general3A_39 = tpu.matmul %max3A_27, %get3A_37, %dot_general3A_38 {dimension_numbers = #tpu.dot_dimension_numbers<[1], [0], [0], [1], [0, 0, 1, 1], [], []>, transpose_lhs_hint = false} : vector<1280x128xf32>, vector<128x2xf32>, vector<1280x2xf32> -> vector<1280x2xf32>
    %add3A_40 = arith.addf %dot_general3A_34, %dot_general3A_39 : vector<1280x2xf32>
    %get3A_41 = arith.constant 0 : index
    %get3A_42 = arith.constant 0 : index
    %get3A_43 = vector.load %arg8[%get3A_41, %get3A_42] : memref<1x2xf32, #tpu.memory_space<vmem>>, vector<1x2xf32>
    %add3A_44 = vector.broadcast %get3A_43 : vector<1x2xf32> to vector<1280x2xf32>
    %add3A_45 = arith.addf %add3A_40, %add3A_44 : vector<1280x2xf32>
    %swap3A = arith.constant 0 : index
    %swap3A_46 = arith.constant 0 : index
    %swap3A_47 = vector.load %arg9[%swap3A, %swap3A_46] : memref<1280x2xf32, #tpu.memory_space<vmem>>, vector<1280x2xf32>
    tpu.vector_store %arg9[%swap3A, %swap3A_46], %add3A_45 {strides = array<i32>} : memref<1280x2xf32, #tpu.memory_space<vmem>>, vector<1280x2xf32>,
    return
  }
  func.func @transform_0(%arg0: i32) -> (i32, i32) {
    %c0_i32 = arith.constant 0 : i32
    %c0_i32_0 = arith.constant 0 : i32
    return %arg0, %c0_i32 : i32, i32
  }
  func.func @transform_1(%arg0: i32) -> (i32, i32, i32) {
    %c0_i32 = arith.constant 0 : i32
    %c0_i32_0 = arith.constant 0 : i32
    %c0_i32_1 = arith.constant 0 : i32
    return %c0_i32, %arg0, %c0_i32_0 : i32, i32, i32
  }
  func.func @transform_2(%arg0: i32) -> (i32, i32) {
    %c0_i32 = arith.constant 0 : i32
    %c0_i32_0 = arith.constant 0 : i32
    return %arg0, %c0_i32 : i32, i32
  }
  func.func @transform_3(%arg0: i32) -> (i32, i32) {
    %c0_i32 = arith.constant 0 : i32
    %c0_i32_0 = arith.constant 0 : i32
    return %c0_i32, %arg0 : i32, i32
  }
  func.func @transform_4(%arg0: i32) -> (i32, i32) {
    %c0_i32 = arith.constant 0 : i32
    %c0_i32_0 = arith.constant 0 : i32
    %c0_i32_1 = arith.constant 0 : i32
    return %c0_i32, %c0_i32_0 : i32, i32
  }
  func.func @transform_5(%arg0: i32) -> (i32, i32) {
    %c0_i32 = arith.constant 0 : i32
    %c0_i32_0 = arith.constant 0 : i32
    %c0_i32_1 = arith.constant 0 : i32
    return %c0_i32, %c0_i32_0 : i32, i32
  }
  func.func @transform_6(%arg0: i32) -> (i32, i32) {
    %c0_i32 = arith.constant 0 : i32
    %c0_i32_0 = arith.constant 0 : i32
    %c0_i32_1 = arith.constant 0 : i32
    return %c0_i32, %c0_i32_0 : i32, i32
  }
  func.func @transform_7(%arg0: i32) -> (i32, i32) {
    %c0_i32 = arith.constant 0 : i32
    %c0_i32_0 = arith.constant 0 : i32
    %c0_i32_1 = arith.constant 0 : i32
    return %c0_i32, %c0_i32_0 : i32, i32
  }
  func.func @transform_8(%arg0: i32) -> (i32, i32) {
    %c0_i32 = arith.constant 0 : i32
    %c0_i32_0 = arith.constant 0 : i32
    return %arg0, %c0_i32 : i32, i32
  }
}

module attributes {stable_mosaic.version = 14 : i64} {
  func.func @_scale_body(%arg0: i32, %arg1: memref<1280x128xf32, #tpu.memory_space<vmem>>, %arg2: memref<32x1280xf32, #tpu.memory_space<vmem>>, %arg3: memref<1280x128xf32, #tpu.memory_space<vmem>>) attributes {dimension_semantics = [#tpu.dimension_semantics<arbitrary>], iteration_bounds = array<i64: 8>, scalar_prefetch = 0 : i64, scratch_operands = 0 : i64, tpu.core_type = #tpu.core_type<tc>, window_params = [{transform_indices = @transform_0, window_bounds = array<i64: 1280, 128>}, {transform_indices = @transform_1, window_bounds = array<i64: 32, 1280>}, {transform_indices = @transform_2, window_bounds = array<i64: 1280, 128>}]} {
    %get3A = arith.constant 0 : index
    %get3A_0 = arith.constant 0 : index
    %get3A_1 = vector.load %arg2[%get3A, %get3A_0] : memref<32x1280xf32, #tpu.memory_space<vmem>>, vector<32x1280xf32>
    %reduce_sum3A = arith.constant dense<0.000000e+00> : vector<1280xf32>
    %reduce_sum3A_2 = vector.multi_reduction <add>, %get3A_1, %reduce_sum3A [0] : vector<32x1280xf32> to vector<1280xf32>
    %add3A = arith.constant 1.000000e+00 : f32
    %add3A_3 = vector.broadcast %add3A : f32 to vector<1280xf32>
    %add3A_4 = arith.addf %reduce_sum3A_2, %add3A_3 : vector<1280xf32>
    %rsqrt3A = math.rsqrt %add3A_4 : vector<1280xf32>
    %get3A_5 = arith.constant 0 : index
    %get3A_6 = arith.constant 0 : index
    %get3A_7 = vector.load %arg1[%get3A_5, %get3A_6] : memref<1280x128xf32, #tpu.memory_space<vmem>>, vector<1280x128xf32>
    %broadcast_in_dim3A = vector.shape_cast %rsqrt3A : vector<1280xf32> to vector<1280x1xf32>
    %mul3A = vector.broadcast %broadcast_in_dim3A : vector<1280x1xf32> to vector<1280x128xf32>
    %mul3A_8 = arith.mulf %get3A_7, %mul3A : vector<1280x128xf32>
    %swap3A = arith.constant 0 : index
    %swap3A_9 = arith.constant 0 : index
    %swap3A_10 = vector.load %arg3[%swap3A, %swap3A_9] : memref<1280x128xf32, #tpu.memory_space<vmem>>, vector<1280x128xf32>
    tpu.vector_store %arg3[%swap3A, %swap3A_9], %mul3A_8 {strides = array<i32>} : memref<1280x128xf32, #tpu.memory_space<vmem>>, vector<1280x128xf32>,
    return
  }
  func.func @transform_0(%arg0: i32) -> (i32, i32) {
    %c0_i32 = arith.constant 0 : i32
    %c0_i32_0 = arith.constant 0 : i32
    return %arg0, %c0_i32 : i32, i32
  }
  func.func @transform_1(%arg0: i32) -> (i32, i32) {
    %c0_i32 = arith.constant 0 : i32
    %c0_i32_0 = arith.constant 0 : i32
    return %c0_i32, %arg0 : i32, i32
  }
  func.func @transform_2(%arg0: i32) -> (i32, i32) {
    %c0_i32 = arith.constant 0 : i32
    %c0_i32_0 = arith.constant 0 : i32
    return %arg0, %c0_i32 : i32, i32
  }
}

module attributes {stable_mosaic.version = 14 : i64} {
  func.func @_mm1_body(%arg0: i32, %arg1: memref<1280x128xf32, #tpu.memory_space<vmem>>, %arg2: memref<128x128xf32, #tpu.memory_space<vmem>>, %arg3: memref<1280x128xf32, #tpu.memory_space<vmem>>) attributes {dimension_semantics = [#tpu.dimension_semantics<arbitrary>], iteration_bounds = array<i64: 8>, scalar_prefetch = 0 : i64, scratch_operands = 0 : i64, tpu.core_type = #tpu.core_type<tc>, window_params = [{transform_indices = @transform_0, window_bounds = array<i64: 1280, 128>}, {pipeline_mode = #tpu.pipeline_mode<synchronous>, transform_indices = @transform_1, window_bounds = array<i64: 128, 128>}, {transform_indices = @transform_2, window_bounds = array<i64: 1280, 128>}]} {
    %get3A = arith.constant 0 : index
    %get3A_0 = arith.constant 0 : index
    %get3A_1 = vector.load %arg1[%get3A, %get3A_0] : memref<1280x128xf32, #tpu.memory_space<vmem>>, vector<1280x128xf32>
    %get3A_2 = arith.constant 0 : index
    %get3A_3 = arith.constant 0 : index
    %get3A_4 = vector.load %arg2[%get3A_2, %get3A_3] : memref<128x128xf32, #tpu.memory_space<vmem>>, vector<128x128xf32>
    %dot_general3A = arith.constant dense<0.000000e+00> : vector<1280x128xf32>
    %dot_general3A_5 = tpu.matmul %get3A_1, %get3A_4, %dot_general3A {dimension_numbers = #tpu.dot_dimension_numbers<[1], [0], [0], [1], [0, 0, 1, 1], [], []>, transpose_lhs_hint = false} : vector<1280x128xf32>, vector<128x128xf32>, vector<1280x128xf32> -> vector<1280x128xf32>
    %swap3A = arith.constant 0 : index
    %swap3A_6 = arith.constant 0 : index
    %swap3A_7 = vector.load %arg3[%swap3A, %swap3A_6] : memref<1280x128xf32, #tpu.memory_space<vmem>>, vector<1280x128xf32>
    tpu.vector_store %arg3[%swap3A, %swap3A_6], %dot_general3A_5 {strides = array<i32>} : memref<1280x128xf32, #tpu.memory_space<vmem>>, vector<1280x128xf32>,
    return
  }
  func.func @transform_0(%arg0: i32) -> (i32, i32) {
    %c0_i32 = arith.constant 0 : i32
    %c0_i32_0 = arith.constant 0 : i32
    return %arg0, %c0_i32 : i32, i32
  }
  func.func @transform_1(%arg0: i32) -> (i32, i32) {
    %c0_i32 = arith.constant 0 : i32
    %c0_i32_0 = arith.constant 0 : i32
    %c0_i32_1 = arith.constant 0 : i32
    return %c0_i32, %c0_i32_0 : i32, i32
  }
  func.func @transform_2(%arg0: i32) -> (i32, i32) {
    %c0_i32 = arith.constant 0 : i32
    %c0_i32_0 = arith.constant 0 : i32
    return %arg0, %c0_i32 : i32, i32
  }
}

</mosaic_0001>

<sc_bundles>
// kernel: kernel.10.cloned.1.call-start
scs
__scs_entry_jumppad:
0x0: {  	(pc) =	sbr.rel $0x88, $3  }
0x1: {  	(tag) =	ssettag $0x0;
	lr =	simm.s32 $0x1  }
0x2: {  	[smem:$0x3F9B] =	sst lr;
	_ =	strace $0xD0000000  }
0x3: {  	_ = 	snop  }
0x4: {  	_ = 	snop  }
0x5: {  	_ = 	snop  }
0x6: {  	_ = 	snop  }
0x7: {  	_ = 	snop  }
__scs_overlays_trampoline_lowered:
0x8: {  	[smem:$0x3FAA] =	sst s0  }
0x9: {  	[smem:$0x3FAB] =	sst s1  }
0xa: {  	[smem:$0x3FAC] =	sst s2  }
0xb: {  	[smem:$0x3FAD] =	sst s3  }
0xc: {  	[smem:$0x3FAE] =	sst s4  }
0xd: {  	[smem:$0x3FAF] =	sst s5  }
0xe: {  	[smem:$0x3FB0] =	sst s6  }
0xf: {  	[smem:$0x3FB1] =	sst s7  }
0x10: {  	[smem:$0x3FB2] =	sst s8  }
0x11: {  	[smem:$0x3FB3] =	sst s9;
	s0 =	simm.s32 @!p0 $0x0  }
0x12: {  	s1 =	sld [smem:$0x3F99];
	s0 =	simm.s32 @p0 $0x1  }
0x13: {  	[smem:$0x3FB4] =	sst s0;
	s0 =	simm.s32 @!p1 $0x0  }
0x14: {  	s2 =	sld [smem:$0x3F98];
	s0 =	simm.s32 @p1 $0x1  }
0x15: {  	[smem:$0x3FB5] =	sst s0;
	s0 =	simm.s32 @!p2 $0x0  }
0x16: {  	s3 =	sld [smem:$0x3FDB];
	s0 =	simm.s32 @p2 $0x1  }
0x17: {  	s4 =	simm.s32 $0x1BF5;
	[smem:$0x3FB7] =	sst s0  }
0x18: {  	s0 =	sld [smem:$0x3F9A];
	_ =	swait.ge [sflag:s4], $0x0  }
0x19: {  	s7 =	sld [smem:$0x3F9B]  }
0x1a: {  	s8 =	sadd.s32 $0xFFFFE003, lr  }
0x1b: {  	s9 =	sadd.s32 $0xFFFFFEF7, lr;
	s5 =	simm.s32 $0xFFFFFFFF;
	p2 =	slt.u32 s8, $0xFFFFF086  }
0x1c: {  	p1 =	slt.u32 s9, $0xF7A;
	s5 =	simm.s32 @!p2 $0x0  }
0x1d: {  	s5 =	simm.s32 @p1 $0x1;
	p0 =	seq.s32 s7, s2  }
0x1e: {  	s7 =	smul.u32 @!p0 $0xF7A, s2;
	p2 =	seq.s32 @!p0 s5, $0x0  }
0x1f: {  	s9 =	smul.u32 $0xF7A, s1;
	s8 =	simm.s32 @!p0 $0x1BF5;
	p2 =	por !p2, p0  }
0x20: {  	[sflag:s8] =	ssyncset.s32 @!p0 $0xFFFFF086;
	s6 =	sadd.s32 @!p0 s3, s7;
	s7 =	simm.s32 @!p0 $0x108  }
0x21: {  	s3 =	sadd.s32 s3, s9;
	s6 =	sadd.s32 @!p0 $0x88, s6;
	s7 =	simm.s32 @p2 $0x1082  }
0x22: {  	[simem:s7], [sflag:s8] =	dma.local @!p0 [hbm:s6], $0xF7A  }
0x23: {  	s9 =	sor.u32 $0xD0000000, s2;
	s6 =	simm.s32 $0x108;
	_ =	swait.ge @!p0 [sflag:s8], $0x0  }
0x24: {  	s3 =	sadd.s32 $0x88, s3;
	s6 =	simm.s32 @!p1 $0x1082;
	[sflag:s4] =	ssyncset.s32 $0xFFFFF086  }
0x25: {  	[simem:s6], [sflag:s4] =	dma.local [hbm:s3], $0xF7A  }
0x26: {  	[smem:$0x3F9B] =	sst s1;
	(tag) =	ssettag s2;
	_ =	strace s9  }
0x27: {  	s1 =	sld [smem:$0x3FAB]  }
0x28: {  	s2 =	sld [smem:$0x3FAC]  }
0x29: {  	s4 =	sld [smem:$0x3FAE]  }
0x2a: {  	p0 =	seq.s32 s5, $0x0;
	s5 =	sld [smem:$0x3FAF]  }
0x2b: {  	s6 =	sld [smem:$0x3FB0]  }
0x2c: {  	s7 =	sld [smem:$0x3FB1]  }
0x2d: {  	s3 =	simm.s32 $0x108;
	s8 =	sld [smem:$0x3FB2]  }
0x2e: {  	s3 =	simm.s32 @!p0 $0x1082;
	s9 =	sld [smem:$0x3FB3]  }
0x2f: {  	lr =	sadd.s32 s0, s3;
	s0 =	sld [smem:$0x3FAA]  }
0x30: {  	s3 =	sld [smem:$0x3FAD]  }
0x31: {  	[smem:$0x3FB6] =	sst s10  }
0x32: {  	s10 =	sld [smem:$0x3FB4];
	_ =	sdelay $0x3  }
0x33: {  	p0 =	seq.s32 s10, $0x1;
	s10 =	sld [smem:$0x3FB6];
	_ =	sdelay $0x3  }
0x34: {  	[smem:$0x3FB6] =	sst s10  }
0x35: {  	s10 =	sld [smem:$0x3FB5];
	_ =	sdelay $0x3  }
0x36: {  	p1 =	seq.s32 s10, $0x1;
	s10 =	sld [smem:$0x3FB6];
	_ =	sdelay $0x3  }
0x37: {  	[smem:$0x3FB6] =	sst s10  }
0x38: {  	s10 =	sld [smem:$0x3FB7]  }
0x39: {  	_ = 	snop;
	(pc) =	sbr.ind lr, $3  }
0x3a: {  	_ = 	snop  }
0x3b: {  	_ = 	snop  }
0x3c: {  	p2 =	seq.s32 s10, $0x1;
	s10 =	sld [smem:$0x3FB6]  }
0x3d: {  	_ =	shalt  }
0x3e: {  	_ =	shalt  }
0x3f: {  	_ =	shalt  }
0x40: {  	_ =	shalt  }
0x41: {  	_ =	shalt  }
0x42: {  	_ =	shalt  }
0x43: {  	_ =	shalt  }
0x44: {  	_ =	shalt  }
0x45: {  	_ =	shalt  }
0x46: {  	_ =	shalt  }
0x47: {  	_ =	shalt  }
0x48: {  	_ =	shalt  }
0x49: {  	_ =	shalt  }
0x4a: {  	_ =	shalt  }
0x4b: {  	_ =	shalt  }
0x4c: {  	_ =	shalt  }
0x4d: {  	_ =	shalt  }
0x4e: {  	_ =	shalt  }
0x4f: {  	_ =	shalt  }
0x50: {  	_ =	shalt  }
0x51: {  	_ =	shalt  }
0x52: {  	_ =	shalt  }
0x53: {  	_ =	shalt  }
0x54: {  	_ =	shalt  }
0x55: {  	_ =	shalt  }
0x56: {  	_ =	shalt  }
0x57: {  	_ =	shalt  }
0x58: {  	_ =	shalt  }
0x59: {  	_ =	shalt  }
0x5a: {  	_ =	shalt  }
0x5b: {  	_ =	shalt  }
0x5c: {  	_ =	shalt  }
0x5d: {  	_ =	shalt  }
0x5e: {  	_ =	shalt  }
0x5f: {  	_ =	shalt  }
0x60: {  	_ =	shalt  }
0x61: {  	_ =	shalt  }
0x62: {  	_ =	shalt  }
0x63: {  	_ =	shalt  }
0x64: {  	_ =	shalt  }
0x65: {  	_ =	shalt  }
0x66: {  	_ =	shalt  }
0x67: {  	_ =	shalt  }
0x68: {  	_ =	shalt  }
0x69: {  	_ =	shalt  }
0x6a: {  	_ =	shalt  }
0x6b: {  	_ =	shalt  }
0x6c: {  	_ =	shalt  }
0x6d: {  	_ =	shalt  }
0x6e: {  	_ =	shalt  }
0x6f: {  	_ =	shalt  }
0x70: {  	_ =	shalt  }
0x71: {  	_ =	shalt  }
0x72: {  	_ =	shalt  }
0x73: {  	_ =	shalt  }
0x74: {  	_ =	shalt  }
0x75: {  	_ =	shalt  }
0x76: {  	_ =	shalt  }
0x77: {  	_ =	shalt  }
0x78: {  	_ =	shalt  }
0x79: {  	_ =	shalt  }
0x7a: {  	_ =	shalt  }
0x7b: {  	_ =	shalt  }
0x7c: {  	_ =	shalt  }
0x7d: {  	_ =	shalt  }
0x7e: {  	_ =	shalt  }
0x7f: {  	_ =	shalt  }
0x80: {  	_ =	shalt  }
0x81: {  	_ =	shalt  }
0x82: {  	_ =	shalt  }
0x83: {  	_ =	shalt  }
0x84: {  	_ =	shalt  }
0x85: {  	_ =	shalt  }
0x86: {  	_ =	shalt  }
0x87: {  	_ =	shalt  }
.Lfunc_end0:
.L_simem_size_0:
called_computation.1_lowered:
.L_overlay_start_0:
0x88: {  	s2 =	sld [smem:$0x3FD9]  }
0x89: {  	s3 =	sld [smem:$0x3FFE];
	_ =	sdelay $0x1  }
0x8a: {  	s1 =	srdreg.scid  }
0x8b: {  	s0 =	sand.u32 $0x1, s1  }
0x8c: {  	s16 =	sshll.u32 s0, $0xA;
	s2 =	sadd.s32 s3, s2  }
0x8d: {  	s2 =	sadd.s32 s2, s16  }
0x8e: {  	[smem:$0x3FC2] =	sst s2  }
0x8f: {  	_ = 	snop  }
0x90: {  	(tm) =	ssettm $0x1  }
0x91: {  	s17 =	sld [smem:$0x3FFB];
	_ =	sdelay $0x3  }
0x92: {  	_ =	strace s17  }
0x93: {  	s2 =	sld [smem:$0x3FFC];
	_ =	sdelay $0x3  }
0x94: {  	_ =	strace s2  }
0x95: {  	s2 =	sld [smem:$0x3FFD];
	_ =	sdelay $0x3  }
0x96: {  	_ =	strace s2  }
0x97: {  	_ =	strace $0x8FFFFFFF  }
0x98: {  	s18 =	sld [smem:$0x3FDB];
	_ =	sdelay $0x1  }
0x99: {  	s19 =	simm.s32 $_scs_section_size  }
0x9a: {  	s4 =	simm.s32 $_size__tile_overlayer_lowered;
	s5 =	simm.s32 $_tile_overlayer_lowered  }
0x9b: {  	s22 =	simm.s32 $0x1BFF;
	s21 =	sshll.u32 s5, $0x1;
	s2 =	sadd.s32 s19, s18  }
0x9c: {  	s6 =	simm.s32 $0x0;
	s20 =	sshll.u32 s4, $0x1;
	s4 =	sadd.s32 s21, s2  }
0x9d: {  	[timem:s6], [sflag:s22] =	dma.local [hbm:s4], s20  }
0x9e: {  	_ =	swait.ge [sflag:s22], s20  }
0x9f: {  	s3 =	ssub.s32 $0x0, s20;
	[sflag:s22] =	ssyncset.done $0x0  }
0xa0: {  	[sflag:s22] =	ssyncadd.s32 s3;
	_ =	sdelay $0x1  }
0xa1: {  	s23 =	simm.s32 $0x1B8B  }
0xa2: {  	_ =	swait.ge [sflag:s23], $0x1  }
0xa3: {  	[sflag:s23] =	ssyncset.done $0x0  }
0xa4: {  	s25 =	simm.s32 $0x1B8E;
	s24 =	sld [smem:$0x3FFE];
	[sflag:s23] =	ssyncadd.s32 $0xFFFFFFFF  }
0xa5: {  	s26 =	simm.s32 $execute0_lowered;
	[smem:$0x3FD2] =	sst s25  }
0xa6: {  	s4 =	sshll.u32 s26, $0x1;
	_ =	strace $0x80000049;
	[dreg:$0x1] =	wrdreg $0xFFFFFFFF  }
0xa7: {  	s28 =	simm.s32 $_size_execute0_lowered;
	s2 =	sadd.s32 s2, s4;
	[dreg:$0x0] =	wrdreg $0x0  }
0xa8: {  	s4 =	sshll.u32 s28, $0x1;
	[dreg:$0x2] =	wrdreg s2  }
0xa9: {  	[dreg:$0x3] =	wrdreg s4  }
0xaa: {  	[dreg:$0x4] =	wrdreg $0xC0  }
0xab: {  	_ =	task [dreg:s6], $0x5FFFF  }
0xac: {  	[dreg:$0x1] =	wrdreg $0xFFFFFFFF  }
0xad: {  	[dreg:$0x0] =	wrdreg $0x60  }
0xae: {  	[dreg:$0x2] =	wrdreg s24  }
0xaf: {  	[dreg:$0x3] =	wrdreg $0x9  }
0xb0: {  	_ =	task.clear_ibuf [dreg:s6], $0x4FFFF;
	_ =	strace $0x90000049  }
0xb1: {  	s29 =	simm.s32 $0x9;
	_ =	strace $0x8000004B  }
0xb2: {  	_ =	swait.ge [sflag:s29], $0x1  }
0xb3: {  	[sflag:s29] =	ssyncadd.s32 $0xFFFFFFFF  }
0xb4: {  	_ =	strace $0x9000004B  }
0xb5: {  	_ =	sfence  }
0xb6: {  	s30 =	sld [smem:$0x0];
	_ =	sdelay $0x2  }
0xb7: {  	s31 =	sshll.u32 s1, $0xD;
	s1 =	sshrl.u32 s1, $0x2  }
0xb8: {  	s3 =	sand.u32 $0x4000, s31;
	s1 =	sadd.s32 s1, s30  }
0xb9: {  	s0 =	sor.u32 s3, s0;
	s1 =	sshll.u32 s1, $0x11  }
0xba: {  	s0 =	sor.u32 s1, s0  }
0xbb: {  	s0 =	sadd.s32 $0x8F2B, s0  }
0xbc: {  	[sflag:s0] =	ssyncadd.remote.s32 $0x1  }
0xbd: {  	_ =	sfence.sel $0xFFFF  }
0xbe: {  	[dreg:$0x0] =	wrdreg $0xFFFFFFFF;
	(pc) =	sbr.abs _section_cstart, $3  }
0xbf: {  	[dreg:$0x1] =	wrdreg $0xFFFFFFFF  }
0xc0: {  	_ =	task.clear_ibuf [dreg:s6], $0x2FFFF;
	_ =	strace $0x9FFFFFFF  }
0xc1: {  	(tm) =	ssettm $0x7FFFFFFF  }
tec
execute0_lowered:
.L_overlay_start_1:
0x0: {  	(tag) =	ssettag $0x1  }
0x1: {  	s0 =	rddreg [dreg:$0x0];
	s1 =	srdreg.scid;
	s2 =	simm.s32 $0x0  }
0x2: {  	s31 =	stileid.u32;
	s13 =	simm.s32 $0x2;
	s14 =	simm.s32 $0x500  }
0x3: {  	s15 =	simm.s32 $0x80;
	s16 =	simm.s32 $0x1A00;
	s17 =	simm.s32 $0x1  }
0x4: {  	s19 =	simm.s32 $0x9A00;
	s20 =	simm.s32 $0xDA00;
	s21 =	simm.s32 $0x11A00  }
0x5: {  	s22 =	simm.s32 $0x15A00;
	s23 =	simm.s32 $0x0;
	s7 =	smul.u32 $0x14000, s31  }
0x6: {  	s30 =	simm.s32 $0x0;
	s6 =	sand.u32 $0x1, s1;
	s18 =	smul.u32 $0xFFFFFD80, s31  }
0x7: {  	[smem:$0x7FF] =	sst s2;
	s3 =	sadd.s32 $0x15A00, s0;
	s5 =	smul.u32 $0x140000, s6  }
0x8: {  	s4 =	sadd.s32 $0x1E00, s0;
	s8 =	ssub.s32 $0x2, s6;
	s6 =	smul.u32 $0x27100, s6  }
.Ltmp0:
0x9: {  	_ =	strace $0x8000004A;
	s7 =	sadd.s32 s7, s5;
	(pc) =	sbr.rel .LBB2_1-.Ltmp0, $4  }
0xa: {  	s9 =	sshrl.u32 s8, $0x1;
	v0 =	vmov s18;
	s18 =	simm.s32 $0x5A00;
	s7 =	sshrl.u32 s7, $0x3  }
0xb: {  	s5 =	sadd.s32 $0xBC00, s0;
	s8 =	ssub.s32 s8, s9;
	s0 =	sadd.s32 s7, s0  }
0xc: {  	v1 =	vlaneseq.u32;
	s8 =	smax.u32 s8, $0x1;
	s7 =	sadd.s32 $0x3CC00, s0;
	s9 =	sadd.s32 $0x3D400, s0  }
0xd: {  	v2 =	vimm.f32 $0.0e+00;
	v3 =	vimm.s32 $0x0;
	v4 =	vmul.u32 $0x80, v1;
	s10 =	sadd.s32 $0x3DC00, s0;
	s11 =	sadd.s32 $0x3E400, s0;
	s12 =	sadd.s32 $0x3EC00, s0  }
.LBB2_18:
0xe: {  	[hbm4b:s7+s2] =	stream.linear.scatter [tilespmem:s18], [sflag:$0x2], $0x4000, $0x38;
	[tilespmem:$0x19A00] =	vst v63  }
0xf: {  	_ =	swait.ge [sflag:s13], $0x4000  }
0x10: {  	[sflag:s13] =	ssyncset.done $0x0  }
0x11: {  	[sflag:s13] =	ssyncadd.s32 $0xFFFFC000  }
0x12: {  	[hbm4b:s9+s2] =	stream.linear.scatter [tilespmem:s19], [sflag:$0x2], $0x4000, $0x38;
	[tilespmem:$0x19A00] =	vst v63  }
0x13: {  	_ =	swait.ge [sflag:s13], $0x4000  }
0x14: {  	[sflag:s13] =	ssyncset.done $0x0  }
0x15: {  	[sflag:s13] =	ssyncadd.s32 $0xFFFFC000  }
0x16: {  	[hbm4b:s10+s2] =	stream.linear.scatter [tilespmem:s20], [sflag:$0x2], $0x4000, $0x38;
	[tilespmem:$0x19A00] =	vst v63  }
0x17: {  	_ =	swait.ge [sflag:s13], $0x4000  }
0x18: {  	[sflag:s13] =	ssyncset.done $0x0  }
0x19: {  	[sflag:s13] =	ssyncadd.s32 $0xFFFFC000  }
0x1a: {  	[hbm4b:s11+s2] =	stream.linear.scatter [tilespmem:s21], [sflag:$0x2], $0x4000, $0x38;
	[tilespmem:$0x19A00] =	vst v63  }
0x1b: {  	s23 =	sadd.s32 $0x1, s23;
	_ =	swait.ge [sflag:s13], $0x4000  }
0x1c: {  	p0 =	seq.s32 s23, s8;
	[sflag:s13] =	ssyncset.done $0x0  }
.Ltmp1:
0x1d: {  	[sflag:s13] =	ssyncadd.s32 $0xFFFFC000;
	(pc) =	sbr.rel @p0 .LBB2_19-.Ltmp1, $4  }
0x1e: {  	[hbm4b:s12+s2] =	stream.linear.scatter [tilespmem:s22], [sflag:$0x2], $0x4000, $0x38;
	[tilespmem:$0x19A00] =	vst v63  }
0x1f: {  	_ =	swait.ge [sflag:s13], $0x4000  }
0x20: {  	[sflag:s13] =	ssyncset.done $0x0  }
0x21: {  	[sflag:s13] =	ssyncadd.s32 $0xFFFFC000  }
.LBB2_1:
0x22: {  	s25 =	simm.s32 $0x70;
	s24 =	simm.s32 $0x3C0  }
.LBB2_2:
0x23: {  	p0 =	sne.s32 s24, $0x4FFC0;
	[tilespmem:s25+$0x5A00] =	vst v2  }
0x24: {  	[tilespmem:s25+$0x5990] =	vst v2  }
0x25: {  	[tilespmem:s25+$0x59A0] =	vst v2  }
.Ltmp2:
0x26: {  	[tilespmem:s25+$0x59B0] =	vst v2;
	(pc) =	sbr.rel @p0 .LBB2_2-.Ltmp2, $4  }
0x27: {  	[tilespmem:s25+$0x59C0] =	vst v2  }
0x28: {  	[tilespmem:s25+$0x59D0] =	vst v2  }
0x29: {  	[tilespmem:s25+$0x59E0] =	vst v2  }
0x2a: {  	[tilespmem:s25+$0x59F0] =	vst v2;
	s25 =	sshra.s32 s24, $0x2;
	s24 =	sadd.s32 $0x200, s24  }
0x2b: {  	[tilespmem:s25+$0x5A00] =	vst v2  }
0x2c: {  	[tilespmem:s25+$0x5990] =	vst v2  }
0x2d: {  	[tilespmem:s25+$0x59A0] =	vst v2  }
0x2e: {  	[tilespmem:s25+$0x59B0] =	vst v2  }
0x2f: {  	[tilespmem:s25+$0x59C0] =	vst v2  }
0x30: {  	[tilespmem:s25+$0x59D0] =	vst v2  }
0x31: {  	[tilespmem:s25+$0x59E0] =	vst v2  }
0x32: {  	s24 =	simm.s32 $0x0;
	[tilespmem:s25+$0x59F0] =	vst v2;
	s0 =	simm.s32 $0x40;
	s25 =	simm.s32 $0x0  }
.LBB2_4:
0x33: {  	p0 =	sne.s32 s0, $0x1FC0;
	[tilespmem:s25+$0xA00] =	vst v3;
	s26 =	smov.u32 s0;
	s0 =	sadd.s32 $0x40, s0  }
.Ltmp3:
0x34: {  	[tilespmem:s25+$0x1200] =	vst v3;
	(pc) =	sbr.rel @p0 .LBB2_4-.Ltmp3, $2  }
0x35: {  	_ =	sdelay $0x2  }
0x36: {  	s25 =	sshra.s32 s26, $0x2  }
.Ltmp4:
0x37: {  	(pc) =	sbr.rel .LBB2_6-.Ltmp4, $3  }
0x38: {  	_ =	sdelay $0x1  }
0x39: {  	[tilespmem:s25+$0xA00] =	vst v3  }
0x3a: {  	[tilespmem:s25+$0x1200] =	vst v3;
	s25 =	simm.s32 $0x0  }
.LBB2_9:
0x3b: {  	s24 =	simm.s32 @!p0 $0x0  }
.LBB2_16:
0x3c: {  	s25 =	sadd.s32 $0x1, s25  }
0x3d: {  	p0 =	sne.s32 s25, $0x7D  }
.Ltmp5:
0x3e: {  	_ = 	snop;
	(pc) =	sbr.rel @!p0 .LBB2_17-.Ltmp5, $1  }
0x3f: {  	_ =	sdelay $0x3  }
.LBB2_6:
0x40: {  	s0 =	smul.u32 $0x500, s25;
	_ =	sdelay $0x1  }
0x41: {  	s0 =	sadd.s32 s6, s0  }
0x42: {  	s0 =	sshrl.u32 s0, $0x3  }
0x43: {  	s28 =	simm.s32 $0x0;
	s26 =	sadd.s32 s4, s0  }
0x44: {  	[tilespmem:s28], [sflag:$0x2] =	stream.linear.gather [hbm4b:s26+s28], $0x500, $0x38;
	[tilespmem:$0x19A00] =	vst v63  }
0x45: {  	_ =	swait.ge [sflag:s13], $0x500  }
0x46: {  	[sflag:s13] =	ssyncset.done $0x0  }
0x47: {  	s0 =	sadd.s32 s5, s0;
	[sflag:s13] =	ssyncadd.s32 $0xFFFFFB00  }
0x48: {  	[tilespmem:s14], [sflag:$0x2] =	stream.linear.gather [hbm4b:s0+s28], $0x500, $0x38;
	[tilespmem:$0x19A00] =	vst v63  }
0x49: {  	_ =	swait.ge [sflag:s13], $0x500  }
0x4a: {  	[sflag:s13] =	ssyncset.done $0x0  }
0x4b: {  	s31 =	simm.s32 $0x0;
	[sflag:s13] =	ssyncadd.s32 $0xFFFFFB00  }
0x4c: {  	v5 =	vld [tilespmem:s31+$0x500];
	_ =	sdelay $0x4  }
0x4d: {  	v5 =	vadd.s32 v0, v5  }
0x4e: {  	vm0 =	vlt.u32 v5, $0x280  }
0x4f: {  	v7 =	vmpcnt.ones.xlane vm0;
	_ =	sdelay $0x1  }
0x50: {  	v6 =	vld [tilespmem:s31+$0x0];
	(v2sf) =	vpush v7, $0x0;
	_ =	sdelay $0x4  }
0x51: {  	[tilespmem:s24+$0xA00] =	vst.msk vm0, v6  }
0x52: {  	s26 =	simm.s32 $0x80;
	s28 =	simm.s32 $0x10;
	[tilespmem:s24+$0x1200] =	vst.msk vm0, v5  }
.LBB2_7:
0x53: {  	p0 =	sne.s32 s26, $0x13C0;
	v5 =	vld [tilespmem:s28+$0x500];
	_ =	sdelay $0x4  }
0x54: {  	v6 =	vld [tilespmem:s28+$0x0];
	v5 =	vadd.s32 v0, v5  }
0x55: {  	vm0 =	vlt.u32 v5, $0x280  }
0x56: {  	v7 =	vmpcnt.ones.xlane vm0  }
0x57: {  	s0 =	spop (v2sf)  }
0x58: {  	(v2sf) =	vpush v7, $0x0;
	s24 =	sadd.s32 s24, s0  }
0x59: {  	[tilespmem:s24+$0xA00] =	vst.msk vm0, v6  }
.Ltmp6:
0x5a: {  	[tilespmem:s24+$0x1200] =	vst.msk vm0, v5;
	(pc) =	sbr.rel @p0 .LBB2_7-.Ltmp6, $2  }
0x5b: {  	_ =	sdelay $0x2  }
0x5c: {  	s28 =	sshra.s32 s26, $0x2;
	s26 =	sadd.s32 $0x40, s26  }
0x5d: {  	v5 =	vld [tilespmem:s28+$0x500];
	_ =	sdelay $0x4  }
0x5e: {  	v5 =	vadd.s32 v0, v5  }
0x5f: {  	vm0 =	vlt.u32 v5, $0x280  }
0x60: {  	v6 =	vmpcnt.ones.xlane vm0;
	_ =	sdelay $0x1  }
0x61: {  	(v2sf) =	vpush v6, $0x0;
	_ =	sdelay $0xd  }
0x62: {  	s0 =	spop (v2sf)  }
0x63: {  	s0 =	sadd.s32 s24, s0;
	s31 =	spop (v2sf)  }
0x64: {  	s24 =	sadd.s32 s0, s31  }
0x65: {  	p0 =	slt.s32 s24, $0x301  }
0x66: {  	s26 =	sadd.s32 @!p0 $0x7F, s24  }
0x67: {  	s29 =	sand.u32 @!p0 $0x7F, s26  }
0x68: {  	p1 =	slt.s32 @!p0 s26, $0x0;
	p2 =	sne.s32 @!p0 s29, $0x0  }
0x69: {  	s29 =	sshra.s32 @!p0 s26, $0x1F;
	p1 =	por @!p0 !p1, !p2  }
0x6a: {  	v6 =	vld [tilespmem:s28+$0x0];
	s28 =	sshrl.u32 @!p0 s29, $0x19;
	p1 =	por @!p0 !p1, !p1  }
0x6b: {  	s26 =	sadd.s32 @!p0 s28, s26;
	s28 =	simm.s32 @!p0 $0x1;
	p1 =	por !p1, p0  }
0x6c: {  	s26 =	sshra.s32 @!p0 s26, $0x7;
	s28 =	simm.s32 @p1 $0x0  }
0x6d: {  	s26 =	ssub.s32 @!p0 s26, s28  }
0x6e: {  	p1 =	slt.s32 @!p0 s26, $0x1  }
0x6f: {  	p1 =	por p0, p1  }
.Ltmp7:
0x70: {  	_ = 	snop;
	(pc) =	sbr.rel @p1 .LBB2_9-.Ltmp7, $3  }
0x71: {  	_ =	sdelay $0x1  }
0x72: {  	[tilespmem:s0+$0xA00] =	vst.msk vm0, v6  }
0x73: {  	[tilespmem:s0+$0x1200] =	vst.msk vm0, v5;
	s28 =	simm.s32 @!p0 $0x0  }
.LBB2_10:
0x74: {  	s0 =	sshll.u32 s28, $0x9  }
0x75: {  	s0 =	sshra.s32 s0, $0x2  }
0x76: {  	s0 =	sadd.s32 $0xA00, s0  }
0x77: {  	[tilespmem:s16], [sflag:$0x1] =	stream.indirect.gather [hbm4b:s3+s15], $0x80, s0, s15, $0xb8;
	[tilespmem:$0x19A00] =	vst v63  }
0x78: {  	s29 =	sshll.u32 s28, $0x7;
	_ =	swait.ge [sflag:s17], $0x4000  }
0x79: {  	s1 =	sadd.s32 $0x1200, s29;
	[sflag:s17] =	ssyncset.done $0x0  }
0x7a: {  	s31 =	simm.s32 $0x0;
	v5 =	vmov s1;
	[sflag:s17] =	ssyncadd.s32 $0xFFFFC000  }
.LBB2_11:
0x7b: {  	_ = 	snop  }
0x7c: {  	s0 =	sshll.u32 s31, $0x4;
	v6 =	vmov s30  }
0x7d: {  	v7 =	vmov s0;
	v6 =	vand.u32 $0x7F, v6  }
0x7e: {  	v7 =	vshll.u32 v7, $0x7;
	v10 =	vbroadcast v6, $0x0  }
0x7f: {  	v9 =	vld.idx.msk [tilespmem:v5+s0+$0x0 ss:$0x1], $0xffff;
	v6 =	vor.u32 v4, v7  }
0x80: {  	v11 =	vor.u32 v6, v10  }
0x81: {  	s1 =	simm.s32 $0x1;
	s0 =	sadd.s32 s0, s29  }
0x82: {  	s0 =	ssub.s32 s24, s0;
	v7 =	vmov s1  }
0x83: {  	v12 =	vmov s0;
	v7 =	vand.u32 $0x7F, v7  }
0x84: {  	vm0 =	vgt.s32 v12, v1;
	v8 =	vbroadcast v7, $0x0;
	v7 =	vshll.u32 v9, $0x7  }
0x85: {  	v9 =	vld.idx.msk [tilespmem:v11+s16+$0x0], $0xffff;
	v11 =	vor.u32 v7, v10  }
0x86: {  	v10 =	vor.u32 v6, v8;
	_ =	sdelay $0x1  }
0x87: {  	s1 =	simm.s32 $0x2  }
0x88: {  	s0 =	simm.s32 $0x3;
	v12 =	vmov s1  }
.LBB2_12:
0x89: {  	p0 =	sne.s32 s0, $0x7F;
	v12 =	vand.u32 $0x7F, v12;
	[tilespmem:v11+s18+$0x0] =	vst.idx.add.f32.msk vm0, v9  }
0x8a: {  	v12 =	vbroadcast v12, $0x0;
	v9 =	vld.idx.msk [tilespmem:v10+s16+$0x0], $0xffff  }
.Ltmp8:
0x8b: {  	v11 =	vor.u32 v7, v8;
	(pc) =	sbr.rel @p0 .LBB2_12-.Ltmp8, $2  }
0x8c: {  	v10 =	vor.u32 v6, v12;
	v8 =	vmov v12;
	_ =	sdelay $0x2  }
0x8d: {  	v12 =	vmov s0;
	s0 =	sadd.s32 $0x1, s0  }
0x8e: {  	_ =	sdelay $0x3  }
0x8f: {  	v12 =	vand.u32 $0x7F, v12  }
0x90: {  	[tilespmem:v11+s18+$0x0] =	vst.idx.add.f32.msk vm0, v9;
	v63 =	vbroadcast v12, $0x0  }
0x91: {  	v8 =	vor.u32 v7, v8;
	v10 =	vld.idx.msk [tilespmem:v10+s16+$0x0], $0xffff  }
0x92: {  	v6 =	vor.u32 v6, v63;
	_ =	sdelay $0x3  }
0x93: {  	s31 =	sadd.s32 $0x1, s31;
	[tilespmem:v8+s18+$0x0] =	vst.idx.add.f32.msk vm0, v10  }
0x94: {  	p0 =	sne.s32 s31, $0x8;
	v7 =	vor.u32 v7, v63;
	v6 =	vld.idx.msk [tilespmem:v6+s16+$0x0], $0xffff  }
.Ltmp9:
0x95: {  	_ = 	snop;
	(pc) =	sbr.rel @p0 .LBB2_11-.Ltmp9, $2  }
0x96: {  	_ =	sdelay $0x2  }
0x97: {  	[tilespmem:v7+s18+$0x0] =	vst.idx.add.f32.msk vm0, v6  }
0x98: {  	s28 =	sadd.s32 $0x1, s28  }
0x99: {  	p0 =	sne.s32 s28, s26  }
.Ltmp10:
0x9a: {  	_ = 	snop;
	(pc) =	sbr.rel @p0 .LBB2_10-.Ltmp10, $1  }
0x9b: {  	_ =	sdelay $0x3  }
.Ltmp11:
0x9c: {  	(pc) =	sbr.rel .LBB2_16-.Ltmp11, $2  }
0x9d: {  	_ =	sdelay $0x2  }
0x9e: {  	s24 =	simm.s32 $0x0  }
.LBB2_17:
0x9f: {  	s0 =	sadd.s32 $0x7F, s24  }
0xa0: {  	s1 =	sand.u32 $0x7F, s0  }
0xa1: {  	p0 =	slt.s32 s24, $0xFFFFFF82;
	s25 =	sshra.s32 s0, $0x1F;
	p1 =	sne.s32 s1, $0x0  }
0xa2: {  	s31 =	sshrl.u32 s25, $0x19;
	p0 =	por !p0, !p1  }
0xa3: {  	s1 =	simm.s32 $0x1;
	s0 =	sadd.s32 s31, s0;
	p0 =	por !p0, !p0  }
0xa4: {  	s0 =	sshra.s32 s0, $0x7;
	s1 =	simm.s32 @!p0 $0x0  }
0xa5: {  	s25 =	ssub.s32 s0, s1  }
0xa6: {  	p0 =	sgt.s32 s25, $0x0  }
.Ltmp12:
0xa7: {  	_ = 	snop;
	(pc) =	sbr.rel @!p0 .LBB2_18-.Ltmp12, $2  }
0xa8: {  	_ =	sdelay $0x2  }
0xa9: {  	s26 =	simm.s32 $0x0  }
.LBB2_20:
0xaa: {  	s0 =	sshll.u32 s26, $0x9  }
0xab: {  	s0 =	sshra.s32 s0, $0x2  }
0xac: {  	s0 =	sadd.s32 $0xA00, s0  }
0xad: {  	[tilespmem:s16], [sflag:$0x1] =	stream.indirect.gather [hbm4b:s3+s15], $0x80, s0, s15, $0xb8;
	[tilespmem:$0x19A00] =	vst v63  }
0xae: {  	s28 =	sshll.u32 s26, $0x7;
	_ =	swait.ge [sflag:s17], $0x4000  }
0xaf: {  	s31 =	sadd.s32 $0x1200, s28;
	[sflag:s17] =	ssyncset.done $0x0  }
0xb0: {  	s29 =	simm.s32 $0x0;
	v5 =	vmov s31;
	[sflag:s17] =	ssyncadd.s32 $0xFFFFC000  }
.LBB2_21:
0xb1: {  	s0 =	simm.s32 $0x0  }
0xb2: {  	s1 =	sshll.u32 s29, $0x4;
	v6 =	vmov s0  }
0xb3: {  	v7 =	vmov s1;
	v6 =	vand.u32 $0x7F, v6  }
0xb4: {  	v7 =	vshll.u32 v7, $0x7;
	v10 =	vbroadcast v6, $0x0  }
0xb5: {  	v9 =	vld.idx.msk [tilespmem:v5+s1+$0x0 ss:$0x1], $0xffff;
	v6 =	vor.u32 v4, v7  }
0xb6: {  	v11 =	vor.u32 v6, v10  }
0xb7: {  	s31 =	simm.s32 $0x1;
	s1 =	sadd.s32 s1, s28  }
0xb8: {  	s1 =	ssub.s32 s24, s1;
	v7 =	vmov s31  }
0xb9: {  	v12 =	vmov s1;
	v7 =	vand.u32 $0x7F, v7  }
0xba: {  	vm0 =	vgt.s32 v12, v1;
	v8 =	vbroadcast v7, $0x0;
	v7 =	vshll.u32 v9, $0x7  }
0xbb: {  	v9 =	vld.idx.msk [tilespmem:v11+s16+$0x0], $0xffff;
	v11 =	vor.u32 v7, v10  }
0xbc: {  	v10 =	vor.u32 v6, v8;
	_ =	sdelay $0x1  }
0xbd: {  	s31 =	simm.s32 $0x2  }
0xbe: {  	s0 =	simm.s32 $0x3;
	v12 =	vmov s31  }
.LBB2_22:
0xbf: {  	p0 =	sne.s32 s0, $0x7F;
	v12 =	vand.u32 $0x7F, v12;
	[tilespmem:v11+s18+$0x0] =	vst.idx.add.f32.msk vm0, v9  }
0xc0: {  	v12 =	vbroadcast v12, $0x0;
	v9 =	vld.idx.msk [tilespmem:v10+s16+$0x0], $0xffff  }
.Ltmp13:
0xc1: {  	v11 =	vor.u32 v7, v8;
	(pc) =	sbr.rel @p0 .LBB2_22-.Ltmp13, $2  }
0xc2: {  	v10 =	vor.u32 v6, v12;
	v8 =	vmov v12;
	_ =	sdelay $0x2  }
0xc3: {  	v12 =	vmov s0;
	s0 =	sadd.s32 $0x1, s0  }
0xc4: {  	_ =	sdelay $0x3  }
0xc5: {  	v12 =	vand.u32 $0x7F, v12  }
0xc6: {  	[tilespmem:v11+s18+$0x0] =	vst.idx.add.f32.msk vm0, v9;
	v63 =	vbroadcast v12, $0x0  }
0xc7: {  	v8 =	vor.u32 v7, v8;
	v10 =	vld.idx.msk [tilespmem:v10+s16+$0x0], $0xffff  }
0xc8: {  	v6 =	vor.u32 v6, v63;
	_ =	sdelay $0x3  }
0xc9: {  	s29 =	sadd.s32 $0x1, s29;
	[tilespmem:v8+s18+$0x0] =	vst.idx.add.f32.msk vm0, v10  }
0xca: {  	p0 =	sne.s32 s29, $0x8;
	v7 =	vor.u32 v7, v63;
	v6 =	vld.idx.msk [tilespmem:v6+s16+$0x0], $0xffff  }
.Ltmp14:
0xcb: {  	_ = 	snop;
	(pc) =	sbr.rel @p0 .LBB2_21-.Ltmp14, $2  }
0xcc: {  	_ =	sdelay $0x2  }
0xcd: {  	[tilespmem:v7+s18+$0x0] =	vst.idx.add.f32.msk vm0, v6  }
0xce: {  	s26 =	sadd.s32 $0x1, s26  }
0xcf: {  	p0 =	seq.s32 s26, s25  }
.Ltmp15:
0xd0: {  	_ = 	snop;
	(pc) =	sbr.rel @!p0 .LBB2_20-.Ltmp15, $4  }
.Ltmp16:
0xd1: {  	_ = 	snop;
	(pc) =	sbr.rel @p0 .LBB2_18-.Ltmp16, $4  }
0xd2: {  	_ = 	snop  }
0xd3: {  	_ = 	snop  }
0xd4: {  	_ = 	snop  }
0xd5: {  	_ = 	snop  }
.LBB2_19:
0xd6: {  	_ =	sfence.sel $0x180000  }
0xd7: {  	[bflag:$0x0] =	sbarrier.arrive $0xFFFF  }
0xd8: {  	_ =	strace $0x9000004A  }
0xd9: {  	s0 =	stileid.u32;
	[bflag:$0x2] =	sbarrier.arrive $0xFFFF  }
0xda: {  	p0 =	sne.s32 s0, $0x0;
	s0 =	rddreg [dreg:$0x1]  }
0xdb: {  	s0 =	sadd.s32 @!p0 $0x100000, s0  }
0xdc: {  	[sflag:s0] =	ssyncadd.tile.s32 @!p0 $0x1;
	_ =	shalt  }
.Lfunc_end2:
_tile_overlayer_lowered:
.L_overlay_start_2:
0xdd: {  	(tag) =	ssettag $0x2  }
0xde: {  	s0 =	rddreg [dreg:$0x0];
	s2 =	stileid.u32  }
0xdf: {  	s1 =	rddreg [dreg:$0x1];
	p0 =	sne.s32 s2, $0x0  }
0xe0: {  	s3 =	rddreg [dreg:$0x2];
	[bflag:$0x3] =	sbarrier.arrive $0xFFFF;
	s2 =	simm.s32 @!p0 $0x1C02  }
0xe1: {  	[timem:s3], [sflag:s2] =	dma.local @!p0 [hbm:s0], s1  }
0xe2: {  	s0 =	simm.s32 @!p0 $0x2  }
0xe3: {  	_ =	swait.ge @!p0 [sflag:s0], s1  }
0xe4: {  	s1 =	ssub.s32 @!p0 $0x0, s1;
	[sflag:s0] =	ssyncset.done @!p0 $0x0  }
0xe5: {  	[sflag:s0] =	ssyncadd.s32 @!p0 s1  }
0xe6: {  	[bflag:$0x3] =	sbarrier.arrive $0xFFFF  }
0xe7: {  	_ =	shalt  }

// kernel: kernel.7.cloned.1.call-start
scs
__scs_entry_jumppad:
0x0: {  	(pc) =	sbr.rel $0x88, $3  }
0x1: {  	(tag) =	ssettag $0x0;
	lr =	simm.s32 $0x1  }
0x2: {  	[smem:$0x3F9B] =	sst lr;
	_ =	strace $0xD0000000  }
0x3: {  	_ = 	snop  }
0x4: {  	_ = 	snop  }
0x5: {  	_ = 	snop  }
0x6: {  	_ = 	snop  }
0x7: {  	_ = 	snop  }
__scs_overlays_trampoline_lowered:
0x8: {  	[smem:$0x3FAA] =	sst s0  }
0x9: {  	[smem:$0x3FAB] =	sst s1  }
0xa: {  	[smem:$0x3FAC] =	sst s2  }
0xb: {  	[smem:$0x3FAD] =	sst s3  }
0xc: {  	[smem:$0x3FAE] =	sst s4  }
0xd: {  	[smem:$0x3FAF] =	sst s5  }
0xe: {  	[smem:$0x3FB0] =	sst s6  }
0xf: {  	[smem:$0x3FB1] =	sst s7  }
0x10: {  	[smem:$0x3FB2] =	sst s8  }
0x11: {  	[smem:$0x3FB3] =	sst s9;
	s0 =	simm.s32 @!p0 $0x0  }
0x12: {  	s1 =	sld [smem:$0x3F99];
	s0 =	simm.s32 @p0 $0x1  }
0x13: {  	[smem:$0x3FB4] =	sst s0;
	s0 =	simm.s32 @!p1 $0x0  }
0x14: {  	s2 =	sld [smem:$0x3F98];
	s0 =	simm.s32 @p1 $0x1  }
0x15: {  	[smem:$0x3FB5] =	sst s0;
	s0 =	simm.s32 @!p2 $0x0  }
0x16: {  	s3 =	sld [smem:$0x3FDB];
	s0 =	simm.s32 @p2 $0x1  }
0x17: {  	s4 =	simm.s32 $0x1BF5;
	[smem:$0x3FB7] =	sst s0  }
0x18: {  	s0 =	sld [smem:$0x3F9A];
	_ =	swait.ge [sflag:s4], $0x0  }
0x19: {  	s7 =	sld [smem:$0x3F9B]  }
0x1a: {  	s8 =	sadd.s32 $0xFFFFE003, lr  }
0x1b: {  	s9 =	sadd.s32 $0xFFFFFEF7, lr;
	s5 =	simm.s32 $0xFFFFFFFF;
	p2 =	slt.u32 s8, $0xFFFFF086  }
0x1c: {  	p1 =	slt.u32 s9, $0xF7A;
	s5 =	simm.s32 @!p2 $0x0  }
0x1d: {  	s5 =	simm.s32 @p1 $0x1;
	p0 =	seq.s32 s7, s2  }
0x1e: {  	s7 =	smul.u32 @!p0 $0xF7A, s2;
	p2 =	seq.s32 @!p0 s5, $0x0  }
0x1f: {  	s9 =	smul.u32 $0xF7A, s1;
	s8 =	simm.s32 @!p0 $0x1BF5;
	p2 =	por !p2, p0  }
0x20: {  	[sflag:s8] =	ssyncset.s32 @!p0 $0xFFFFF086;
	s6 =	sadd.s32 @!p0 s3, s7;
	s7 =	simm.s32 @!p0 $0x108  }
0x21: {  	s3 =	sadd.s32 s3, s9;
	s6 =	sadd.s32 @!p0 $0x88, s6;
	s7 =	simm.s32 @p2 $0x1082  }
0x22: {  	[simem:s7], [sflag:s8] =	dma.local @!p0 [hbm:s6], $0xF7A  }
0x23: {  	s9 =	sor.u32 $0xD0000000, s2;
	s6 =	simm.s32 $0x108;
	_ =	swait.ge @!p0 [sflag:s8], $0x0  }
0x24: {  	s3 =	sadd.s32 $0x88, s3;
	s6 =	simm.s32 @!p1 $0x1082;
	[sflag:s4] =	ssyncset.s32 $0xFFFFF086  }
0x25: {  	[simem:s6], [sflag:s4] =	dma.local [hbm:s3], $0xF7A  }
0x26: {  	[smem:$0x3F9B] =	sst s1;
	(tag) =	ssettag s2;
	_ =	strace s9  }
0x27: {  	s1 =	sld [smem:$0x3FAB]  }
0x28: {  	s2 =	sld [smem:$0x3FAC]  }
0x29: {  	s4 =	sld [smem:$0x3FAE]  }
0x2a: {  	p0 =	seq.s32 s5, $0x0;
	s5 =	sld [smem:$0x3FAF]  }
0x2b: {  	s6 =	sld [smem:$0x3FB0]  }
0x2c: {  	s7 =	sld [smem:$0x3FB1]  }
0x2d: {  	s3 =	simm.s32 $0x108;
	s8 =	sld [smem:$0x3FB2]  }
0x2e: {  	s3 =	simm.s32 @!p0 $0x1082;
	s9 =	sld [smem:$0x3FB3]  }
0x2f: {  	lr =	sadd.s32 s0, s3;
	s0 =	sld [smem:$0x3FAA]  }
0x30: {  	s3 =	sld [smem:$0x3FAD]  }
0x31: {  	[smem:$0x3FB6] =	sst s10  }
0x32: {  	s10 =	sld [smem:$0x3FB4];
	_ =	sdelay $0x3  }
0x33: {  	p0 =	seq.s32 s10, $0x1;
	s10 =	sld [smem:$0x3FB6];
	_ =	sdelay $0x3  }
0x34: {  	[smem:$0x3FB6] =	sst s10  }
0x35: {  	s10 =	sld [smem:$0x3FB5];
	_ =	sdelay $0x3  }
0x36: {  	p1 =	seq.s32 s10, $0x1;
	s10 =	sld [smem:$0x3FB6];
	_ =	sdelay $0x3  }
0x37: {  	[smem:$0x3FB6] =	sst s10  }
0x38: {  	s10 =	sld [smem:$0x3FB7]  }
0x39: {  	_ = 	snop;
	(pc) =	sbr.ind lr, $3  }
0x3a: {  	_ = 	snop  }
0x3b: {  	_ = 	snop  }
0x3c: {  	p2 =	seq.s32 s10, $0x1;
	s10 =	sld [smem:$0x3FB6]  }
0x3d: {  	_ =	shalt  }
0x3e: {  	_ =	shalt  }
0x3f: {  	_ =	shalt  }
0x40: {  	_ =	shalt  }
0x41: {  	_ =	shalt  }
0x42: {  	_ =	shalt  }
0x43: {  	_ =	shalt  }
0x44: {  	_ =	shalt  }
0x45: {  	_ =	shalt  }
0x46: {  	_ =	shalt  }
0x47: {  	_ =	shalt  }
0x48: {  	_ =	shalt  }
0x49: {  	_ =	shalt  }
0x4a: {  	_ =	shalt  }
0x4b: {  	_ =	shalt  }
0x4c: {  	_ =	shalt  }
0x4d: {  	_ =	shalt  }
0x4e: {  	_ =	shalt  }
0x4f: {  	_ =	shalt  }
0x50: {  	_ =	shalt  }
0x51: {  	_ =	shalt  }
0x52: {  	_ =	shalt  }
0x53: {  	_ =	shalt  }
0x54: {  	_ =	shalt  }
0x55: {  	_ =	shalt  }
0x56: {  	_ =	shalt  }
0x57: {  	_ =	shalt  }
0x58: {  	_ =	shalt  }
0x59: {  	_ =	shalt  }
0x5a: {  	_ =	shalt  }
0x5b: {  	_ =	shalt  }
0x5c: {  	_ =	shalt  }
0x5d: {  	_ =	shalt  }
0x5e: {  	_ =	shalt  }
0x5f: {  	_ =	shalt  }
0x60: {  	_ =	shalt  }
0x61: {  	_ =	shalt  }
0x62: {  	_ =	shalt  }
0x63: {  	_ =	shalt  }
0x64: {  	_ =	shalt  }
0x65: {  	_ =	shalt  }
0x66: {  	_ =	shalt  }
0x67: {  	_ =	shalt  }
0x68: {  	_ =	shalt  }
0x69: {  	_ =	shalt  }
0x6a: {  	_ =	shalt  }
0x6b: {  	_ =	shalt  }
0x6c: {  	_ =	shalt  }
0x6d: {  	_ =	shalt  }
0x6e: {  	_ =	shalt  }
0x6f: {  	_ =	shalt  }
0x70: {  	_ =	shalt  }
0x71: {  	_ =	shalt  }
0x72: {  	_ =	shalt  }
0x73: {  	_ =	shalt  }
0x74: {  	_ =	shalt  }
0x75: {  	_ =	shalt  }
0x76: {  	_ =	shalt  }
0x77: {  	_ =	shalt  }
0x78: {  	_ =	shalt  }
0x79: {  	_ =	shalt  }
0x7a: {  	_ =	shalt  }
0x7b: {  	_ =	shalt  }
0x7c: {  	_ =	shalt  }
0x7d: {  	_ =	shalt  }
0x7e: {  	_ =	shalt  }
0x7f: {  	_ =	shalt  }
0x80: {  	_ =	shalt  }
0x81: {  	_ =	shalt  }
0x82: {  	_ =	shalt  }
0x83: {  	_ =	shalt  }
0x84: {  	_ =	shalt  }
0x85: {  	_ =	shalt  }
0x86: {  	_ =	shalt  }
0x87: {  	_ =	shalt  }
.Lfunc_end0:
.L_simem_size_0:
called_computation_lowered:
.L_overlay_start_0:
0x88: {  	s2 =	sld [smem:$0x3FD9]  }
0x89: {  	s3 =	sld [smem:$0x3FFE];
	_ =	sdelay $0x1  }
0x8a: {  	s1 =	srdreg.scid  }
0x8b: {  	s0 =	sand.u32 $0x1, s1  }
0x8c: {  	s16 =	sshll.u32 s0, $0xA;
	s2 =	sadd.s32 s3, s2  }
0x8d: {  	s2 =	sadd.s32 s2, s16  }
0x8e: {  	[smem:$0x3FC2] =	sst s2  }
0x8f: {  	_ = 	snop  }
0x90: {  	(tm) =	ssettm $0x1  }
0x91: {  	s17 =	sld [smem:$0x3FFB];
	_ =	sdelay $0x3  }
0x92: {  	_ =	strace s17  }
0x93: {  	s2 =	sld [smem:$0x3FFC];
	_ =	sdelay $0x3  }
0x94: {  	_ =	strace s2  }
0x95: {  	s2 =	sld [smem:$0x3FFD];
	_ =	sdelay $0x3  }
0x96: {  	_ =	strace s2  }
0x97: {  	_ =	strace $0x8FFFFFFF  }
0x98: {  	s18 =	sld [smem:$0x3FDB];
	_ =	sdelay $0x1  }
0x99: {  	s19 =	simm.s32 $_scs_section_size  }
0x9a: {  	s4 =	simm.s32 $_size__tile_overlayer_lowered;
	s5 =	simm.s32 $_tile_overlayer_lowered  }
0x9b: {  	s22 =	simm.s32 $0x1BFF;
	s21 =	sshll.u32 s5, $0x1;
	s2 =	sadd.s32 s19, s18  }
0x9c: {  	s6 =	simm.s32 $0x0;
	s20 =	sshll.u32 s4, $0x1;
	s4 =	sadd.s32 s21, s2  }
0x9d: {  	[timem:s6], [sflag:s22] =	dma.local [hbm:s4], s20  }
0x9e: {  	_ =	swait.ge [sflag:s22], s20  }
0x9f: {  	s3 =	ssub.s32 $0x0, s20;
	[sflag:s22] =	ssyncset.done $0x0  }
0xa0: {  	[sflag:s22] =	ssyncadd.s32 s3;
	_ =	sdelay $0x1  }
0xa1: {  	s23 =	simm.s32 $0x1B8B  }
0xa2: {  	_ =	swait.ge [sflag:s23], $0x1  }
0xa3: {  	[sflag:s23] =	ssyncset.done $0x0  }
0xa4: {  	s25 =	simm.s32 $0x1B8E;
	s24 =	sld [smem:$0x3FFE];
	[sflag:s23] =	ssyncadd.s32 $0xFFFFFFFF  }
0xa5: {  	s26 =	simm.s32 $execute0_lowered;
	[smem:$0x3FD2] =	sst s25  }
0xa6: {  	s4 =	sshll.u32 s26, $0x1;
	_ =	strace $0x80000046;
	[dreg:$0x1] =	wrdreg $0xFFFFFFFF  }
0xa7: {  	s28 =	simm.s32 $_size_execute0_lowered;
	s2 =	sadd.s32 s2, s4;
	[dreg:$0x0] =	wrdreg $0x0  }
0xa8: {  	s4 =	sshll.u32 s28, $0x1;
	[dreg:$0x2] =	wrdreg s2  }
0xa9: {  	[dreg:$0x3] =	wrdreg s4  }
0xaa: {  	[dreg:$0x4] =	wrdreg $0xC0  }
0xab: {  	_ =	task [dreg:s6], $0x5FFFF  }
0xac: {  	[dreg:$0x1] =	wrdreg $0xFFFFFFFF  }
0xad: {  	[dreg:$0x0] =	wrdreg $0x60  }
0xae: {  	[dreg:$0x2] =	wrdreg s24  }
0xaf: {  	[dreg:$0x3] =	wrdreg $0x9  }
0xb0: {  	_ =	task.clear_ibuf [dreg:s6], $0x4FFFF;
	_ =	strace $0x90000046  }
0xb1: {  	s29 =	simm.s32 $0x9;
	_ =	strace $0x80000048  }
0xb2: {  	_ =	swait.ge [sflag:s29], $0x1  }
0xb3: {  	[sflag:s29] =	ssyncadd.s32 $0xFFFFFFFF  }
0xb4: {  	_ =	strace $0x90000048  }
0xb5: {  	_ =	sfence  }
0xb6: {  	s30 =	sld [smem:$0x0];
	_ =	sdelay $0x2  }
0xb7: {  	s31 =	sshll.u32 s1, $0xD;
	s1 =	sshrl.u32 s1, $0x2  }
0xb8: {  	s3 =	sand.u32 $0x4000, s31;
	s1 =	sadd.s32 s1, s30  }
0xb9: {  	s0 =	sor.u32 s3, s0;
	s1 =	sshll.u32 s1, $0x11  }
0xba: {  	s0 =	sor.u32 s1, s0  }
0xbb: {  	s0 =	sadd.s32 $0x8F2B, s0  }
0xbc: {  	[sflag:s0] =	ssyncadd.remote.s32 $0x1  }
0xbd: {  	_ =	sfence.sel $0xFFFF  }
0xbe: {  	[dreg:$0x0] =	wrdreg $0xFFFFFFFF;
	(pc) =	sbr.abs _section_cstart, $3  }
0xbf: {  	[dreg:$0x1] =	wrdreg $0xFFFFFFFF  }
0xc0: {  	_ =	task.clear_ibuf [dreg:s6], $0x2FFFF;
	_ =	strace $0x9FFFFFFF  }
0xc1: {  	(tm) =	ssettm $0x7FFFFFFF  }
tec
execute0_lowered:
.L_overlay_start_1:
0x0: {  	(tag) =	ssettag $0x1  }
0x1: {  	s0 =	srdreg.scid  }
0x2: {  	s4 =	rddreg [dreg:$0x0];
	s2 =	simm.s32 $0x0;
	s10 =	simm.s32 $0x1  }
0x3: {  	s11 =	simm.s32 $0x800;
	s12 =	simm.s32 $0x80;
	s3 =	sand.u32 $0x1, s0  }
0x4: {  	s13 =	simm.s32 $0x400;
	s0 =	stileid.u32;
	s1 =	sshll.u32 s3, $0x4  }
0x5: {  	[smem:$0x7FF] =	sst s2;
	s7 =	sshll.u32 s0, $0x7;
	s5 =	sor.u32 s0, s1  }
0x6: {  	s3 =	ssub.s32 $0x2, s3;
	s6 =	sshrl.u32 s5, $0x3;
	s5 =	smul.u32 $0x2710, s5  }
0x7: {  	s1 =	rddreg [dreg:$0x1];
	s7 =	sand.u32 $0x380, s7;
	s6 =	smul.u32 $0x14000, s6  }
0x8: {  	_ =	strace $0x80000047;
	s31 =	sshrl.u32 s3, $0x1;
	s5 =	sshrl.u32 s5, $0x3  }
0x9: {  	s6 =	sor.u32 s7, s6;
	s7 =	ssub.s32 s3, s31;
	s9 =	sadd.s32 s5, s4  }
0xa: {  	s6 =	sshrl.u32 s6, $0x3;
	s5 =	sadd.s32 $0xBC00, s9;
	s8 =	sadd.s32 $0xBEEE, s9  }
0xb: {  	s6 =	sadd.s32 s6, s4;
	s4 =	smax.u32 s7, $0x1;
	s7 =	sadd.s32 $0xBDF4, s9  }
0xc: {  	v0 =	vimm.f32 $0.0e+00;
	v1 =	vimm.f32 $1.000000000e+00;
	s3 =	sadd.s32 $0x15A00, s6;
	s6 =	sadd.s32 $0xBCFA, s9;
	s9 =	sadd.s32 $0xBFE8, s9  }
.LBB2_1:
0xd: {  	s14 =	simm.s32 $0x40;
	s15 =	simm.s32 $0x0  }
.LBB2_2:
0xe: {  	p0 =	sne.s32 s14, $0x9FC0;
	[tilespmem:s15+$0x800] =	vst v0;
	s15 =	smov.u32 s14;
	s14 =	sadd.s32 $0x40, s14  }
.Ltmp0:
0xf: {  	(pc) =	sbr.rel @p0 .LBB2_2-.Ltmp0, $2  }
0x10: {  	_ =	sdelay $0x2  }
0x11: {  	s15 =	sshra.s32 s15, $0x2  }
0x12: {  	[tilespmem:s15+$0x800] =	vst v0;
	s14 =	simm.s32 $0x0  }
0x13: {  	[tilespmem:s14], [sflag:$0x1] =	stream.linear.gather [hbm4b:s5+s14], $0x7D0, $0x38;
	[tilespmem:$0x3000] =	vst v63  }
0x14: {  	_ =	swait.ge [sflag:s10], $0x7D0  }
0x15: {  	[sflag:s10] =	ssyncset.done $0x0  }
0x16: {  	s15 =	simm.s32 $0x0;
	s14 =	simm.s32 $0x40;
	[sflag:s10] =	ssyncadd.s32 $0xFFFFF830  }
.LBB2_4:
0x17: {  	p0 =	sne.s32 s14, $0x1F00;
	v2 =	vld [tilespmem:s15+$0x0];
	_ =	sdelay $0x3  }
.Ltmp1:
0x18: {  	(pc) =	sbr.rel @p0 .LBB2_4-.Ltmp1, $2  }
0x19: {  	_ =	sdelay $0x2  }
0x1a: {  	s15 =	sshra.s32 s14, $0x2;
	s14 =	sadd.s32 $0x40, s14;
	[tilespmem:v2+s11+$0x0] =	vst.idx.add.f32.msk $0xffff, v1  }
0x1b: {  	v2 =	vld [tilespmem:s15+$0x0];
	_ =	sdelay $0x7  }
0x1c: {  	s14 =	simm.s32 $0x0;
	[tilespmem:v2+s11+$0x0] =	vst.idx.add.f32.msk $0xffff, v1  }
0x1d: {  	[tilespmem:s14], [sflag:$0x1] =	stream.linear.gather [hbm4b:s6+s14], $0x7D0, $0x38;
	[tilespmem:$0x3000] =	vst v63  }
0x1e: {  	_ =	swait.ge [sflag:s10], $0x7D0  }
0x1f: {  	[sflag:s10] =	ssyncset.done $0x0  }
0x20: {  	s15 =	simm.s32 $0x0;
	s14 =	simm.s32 $0x40;
	[sflag:s10] =	ssyncadd.s32 $0xFFFFF830  }
.LBB2_6:
0x21: {  	p0 =	sne.s32 s14, $0x1F00;
	v2 =	vld [tilespmem:s15+$0x0];
	_ =	sdelay $0x3  }
.Ltmp2:
0x22: {  	(pc) =	sbr.rel @p0 .LBB2_6-.Ltmp2, $2  }
0x23: {  	_ =	sdelay $0x2  }
0x24: {  	s15 =	sshra.s32 s14, $0x2;
	s14 =	sadd.s32 $0x40, s14;
	[tilespmem:v2+s11+$0x0] =	vst.idx.add.f32.msk $0xffff, v1  }
0x25: {  	v2 =	vld [tilespmem:s15+$0x0];
	_ =	sdelay $0x7  }
0x26: {  	s14 =	simm.s32 $0x0;
	[tilespmem:v2+s11+$0x0] =	vst.idx.add.f32.msk $0xffff, v1  }
0x27: {  	[tilespmem:s14], [sflag:$0x1] =	stream.linear.gather [hbm4b:s7+s14], $0x7D0, $0x38;
	[tilespmem:$0x3000] =	vst v63  }
0x28: {  	_ =	swait.ge [sflag:s10], $0x7D0  }
0x29: {  	[sflag:s10] =	ssyncset.done $0x0  }
0x2a: {  	s15 =	simm.s32 $0x0;
	s14 =	simm.s32 $0x40;
	[sflag:s10] =	ssyncadd.s32 $0xFFFFF830  }
.LBB2_8:
0x2b: {  	p0 =	sne.s32 s14, $0x1F00;
	v2 =	vld [tilespmem:s15+$0x0];
	_ =	sdelay $0x3  }
.Ltmp3:
0x2c: {  	(pc) =	sbr.rel @p0 .LBB2_8-.Ltmp3, $2  }
0x2d: {  	_ =	sdelay $0x2  }
0x2e: {  	s15 =	sshra.s32 s14, $0x2;
	s14 =	sadd.s32 $0x40, s14;
	[tilespmem:v2+s11+$0x0] =	vst.idx.add.f32.msk $0xffff, v1  }
0x2f: {  	v2 =	vld [tilespmem:s15+$0x0];
	_ =	sdelay $0x7  }
0x30: {  	s14 =	simm.s32 $0x0;
	[tilespmem:v2+s11+$0x0] =	vst.idx.add.f32.msk $0xffff, v1  }
0x31: {  	[tilespmem:s14], [sflag:$0x1] =	stream.linear.gather [hbm4b:s8+s14], $0x7D0, $0x38;
	[tilespmem:$0x3000] =	vst v63  }
0x32: {  	_ =	swait.ge [sflag:s10], $0x7D0  }
0x33: {  	[sflag:s10] =	ssyncset.done $0x0  }
0x34: {  	s15 =	simm.s32 $0x0;
	s14 =	simm.s32 $0x40;
	[sflag:s10] =	ssyncadd.s32 $0xFFFFF830  }
.LBB2_10:
0x35: {  	p0 =	sne.s32 s14, $0x1F00;
	v2 =	vld [tilespmem:s15+$0x0];
	_ =	sdelay $0x3  }
.Ltmp4:
0x36: {  	(pc) =	sbr.rel @p0 .LBB2_10-.Ltmp4, $2  }
0x37: {  	_ =	sdelay $0x2  }
0x38: {  	s15 =	sshra.s32 s14, $0x2;
	s14 =	sadd.s32 $0x40, s14;
	[tilespmem:v2+s11+$0x0] =	vst.idx.add.f32.msk $0xffff, v1  }
0x39: {  	v2 =	vld [tilespmem:s15+$0x0];
	_ =	sdelay $0x7  }
0x3a: {  	s14 =	simm.s32 $0x0;
	[tilespmem:v2+s11+$0x0] =	vst.idx.add.f32.msk $0xffff, v1  }
0x3b: {  	[tilespmem:s14], [sflag:$0x1] =	stream.linear.gather [hbm4b:s9+s14], $0x7D0, $0x38;
	[tilespmem:$0x3000] =	vst v63  }
0x3c: {  	_ =	swait.ge [sflag:s10], $0x7D0  }
0x3d: {  	[sflag:s10] =	ssyncset.done $0x0  }
0x3e: {  	s15 =	simm.s32 $0x0;
	s14 =	simm.s32 $0x40;
	[sflag:s10] =	ssyncadd.s32 $0xFFFFF830  }
.LBB2_12:
0x3f: {  	p0 =	sne.s32 s14, $0x1F00;
	v2 =	vld [tilespmem:s15+$0x0];
	_ =	sdelay $0x3  }
.Ltmp5:
0x40: {  	(pc) =	sbr.rel @p0 .LBB2_12-.Ltmp5, $2  }
0x41: {  	_ =	sdelay $0x2  }
0x42: {  	s15 =	sshra.s32 s14, $0x2;
	s14 =	sadd.s32 $0x40, s14;
	[tilespmem:v2+s11+$0x0] =	vst.idx.add.f32.msk $0xffff, v1  }
0x43: {  	v2 =	vld [tilespmem:s15+$0x0];
	_ =	sdelay $0x5  }
0x44: {  	s2 =	sadd.s32 $0x1, s2  }
0x45: {  	p0 =	sne.s32 s2, s4  }
.Ltmp6:
0x46: {  	[tilespmem:v2+s11+$0x0] =	vst.idx.add.f32.msk $0xffff, v1;
	(pc) =	sbr.rel @p0 .LBB2_1-.Ltmp6, $4  }
0x47: {  	[hbm4b:s3+s12] =	stream.strided.scatter [tilespmem:s11], [sflag:$0x1], $0x2800, s13, s12, $0x38;
	[tilespmem:$0x3000] =	vst v63  }
0x48: {  	_ =	swait.ge [sflag:s10], $0x2800  }
0x49: {  	[sflag:s10] =	ssyncset.done $0x0  }
0x4a: {  	[sflag:s10] =	ssyncadd.s32 $0xFFFFD800  }
0x4b: {  	_ =	sfence.sel $0x180000  }
0x4c: {  	[bflag:$0x0] =	sbarrier.arrive $0xFFFF  }
0x4d: {  	p0 =	sne.s32 s0, $0x0;
	_ =	strace $0x90000047  }
0x4e: {  	s0 =	sadd.s32 @!p0 $0x100000, s1;
	[bflag:$0x2] =	sbarrier.arrive $0xFFFF  }
0x4f: {  	[sflag:s0] =	ssyncadd.tile.s32 @!p0 $0x1;
	_ =	shalt  }
.Lfunc_end2:
_tile_overlayer_lowered:
.L_overlay_start_2:
0x50: {  	(tag) =	ssettag $0x2  }
0x51: {  	s0 =	rddreg [dreg:$0x0];
	s2 =	stileid.u32  }
0x52: {  	s1 =	rddreg [dreg:$0x1];
	p0 =	sne.s32 s2, $0x0  }
0x53: {  	s3 =	rddreg [dreg:$0x2];
	[bflag:$0x3] =	sbarrier.arrive $0xFFFF;
	s2 =	simm.s32 @!p0 $0x1C01  }
0x54: {  	[timem:s3], [sflag:s2] =	dma.local @!p0 [hbm:s0], s1  }
0x55: {  	s0 =	simm.s32 @!p0 $0x1  }
0x56: {  	_ =	swait.ge @!p0 [sflag:s0], s1  }
0x57: {  	s1 =	ssub.s32 @!p0 $0x0, s1;
	[sflag:s0] =	ssyncset.done @!p0 $0x0  }
0x58: {  	[sflag:s0] =	ssyncadd.s32 @!p0 s1  }
0x59: {  	[bflag:$0x3] =	sbarrier.arrive $0xFFFF  }
0x5a: {  	_ =	shalt  }

</sc_bundles>
